<compile_context>
chip_gen: v7x
topology: tpu7x:2x2x1
jax: 0.10.2.dev20260603
libtpu: 0.0.44.dev20260713+nightly
codegen_flags: <defaults>
</compile_context>

<pallas_src>
import functools

import jax
import jax.numpy as jnp
from jax import lax
from jax.experimental import pallas as pl
from jax.experimental.pallas import tpu as pltpu
from jax.experimental.pallas import tpu_sc as plsc

_N = 20000
_PAD = 20480
_NSUB = 16
_CHUNK = _PAD // _NSUB
_CVECS = _CHUNK // 16
_MAX_OUT = 300
_IOU_THRESH = 0.5
_NEG = -1e30


def _sc_body(b0, b1, b2, b3, s, out, x1v, y1v, x2v, y2v, arv, msv, headv,
             headsv, rowv, shared):
    sid = lax.axis_index("s")
    base = sid * _CHUNK
    pltpu.sync_copy(b0.at[pl.ds(base, _CHUNK)], x1v)
    pltpu.sync_copy(b2.at[pl.ds(base, _CHUNK)], x2v)
    pltpu.sync_copy(b1.at[pl.ds(base, _CHUNK)], y1v)
    pltpu.sync_copy(b3.at[pl.ds(base, _CHUNK)], y2v)
    pltpu.sync_copy(s.at[pl.ds(base, _CHUNK)], msv)
    lanes = lax.broadcasted_iota(jnp.int32, (16,), 0)

    def prep(j, _):
        sl = pl.ds(j * 16, 16)
        a = x1v[sl]
        b = x2v[sl]
        lo = jnp.minimum(a, b)
        hi = jnp.maximum(a, b)
        x1v[sl] = lo
        x2v[sl] = hi
        c = y1v[sl]
        d = y2v[sl]
        lo2 = jnp.minimum(c, d)
        hi2 = jnp.maximum(c, d)
        y1v[sl] = lo2
        y2v[sl] = hi2
        arv[sl] = (hi - lo) * (hi2 - lo2)
        return 0

    lax.fori_loop(0, _CVECS, prep, 0)

    def step(i, _):
        def amax(j, carry):
            out = []
            for q in range(8):
                bv, bi = carry[q]
                jj = j + q * (_CVECS // 8)
                v = msv[pl.ds(jj * 16, 16)]
                li = jj * 16 + lanes
                upd = v > bv
                out.append((jnp.where(upd, v, bv), jnp.where(upd, li, bi)))
            return tuple(out)

        init = tuple(
            (jnp.full((16,), _NEG, jnp.float32), jnp.zeros((16,), jnp.int32))
            for _ in range(8))
        quads = lax.fori_loop(0, _CVECS // 8, amax, init)
        bv, bi = quads[0]
        for q in range(1, 8):
            qv, qi = quads[q]
            take = (qv > bv) | ((qv == bv) & (qi < bi))
            bv = jnp.where(take, qv, bv)
            bi = jnp.where(take, qi, bi)
        m = jnp.max(bv)
        mi = jnp.min(jnp.where(bv == m, bi, jnp.int32(1 << 30)))
        gi = base + mi
        mi_v = jnp.zeros((16,), jnp.int32) + mi
        x1g = plsc.load_gather(x1v, [mi_v])
        y1g = plsc.load_gather(y1v, [mi_v])
        x2g = plsc.load_gather(x2v, [mi_v])
        y2g = plsc.load_gather(y2v, [mi_v])
        arg = plsc.load_gather(arv, [mi_v])
        headrow = jnp.where(
            lanes == 0, m,
            jnp.where(
                lanes == 1, gi.astype(jnp.float32),
                jnp.where(
                    lanes == 2, x1g,
                    jnp.where(
                        lanes == 3, y1g,
                        jnp.where(
                            lanes == 4, x2g,
                            jnp.where(lanes == 5, y2g,
                                      jnp.where(lanes == 6, arg, 0.0)))))))
        headv[...] = headrow
        pltpu.sync_copy(headv, shared.at[pl.ds(sid * 16, 16)])
        plsc.subcore_barrier()
        pltpu.sync_copy(shared, headsv)
        plsc.subcore_barrier()
        svec = plsc.load_gather(headsv, [lanes * 16])
        gm = jnp.max(svec)
        wk = jnp.min(jnp.where(svec == gm, lanes, jnp.int32(1 << 30)))
        valid = gm > jnp.float32(-5e29)
        wrow = plsc.load_gather(headsv, [wk * 16 + lanes])
        zf = jnp.float32(0.0)
        wgi = jnp.sum(jnp.where(lanes == 1, wrow, zf)).astype(jnp.int32)
        wx1 = jnp.sum(jnp.where(lanes == 2, wrow, zf))
        wy1 = jnp.sum(jnp.where(lanes == 3, wrow, zf))
        wx2 = jnp.sum(jnp.where(lanes == 4, wrow, zf))
        wy2 = jnp.sum(jnp.where(lanes == 5, wrow, zf))
        war = jnp.sum(jnp.where(lanes == 6, wrow, zf))

        def supp(j, _):
            for q in range(8):
                jj = j * 8 + q
                sl = pl.ds(jj * 16, 16)
                msl = msv[sl]
                iw = jnp.maximum(
                    jnp.minimum(x2v[sl], wx2) - jnp.maximum(x1v[sl], wx1), 0.0)
                ih = jnp.maximum(
                    jnp.minimum(y2v[sl], wy2) - jnp.maximum(y1v[sl], wy1), 0.0)
                inter = iw * ih
                iou = inter / (arv[sl] + war - inter + jnp.float32(1e-8))
                li = base + jj * 16 + lanes
                kill = (iou > jnp.float32(_IOU_THRESH)) | (li == wgi)
                msv[sl] = jnp.where(kill, jnp.float32(_NEG), msl)
            return 0

        lax.fori_loop(0, _CVECS // 8, supp, 0)

        @pl.when(sid == 0)
        def _():
            vf = jnp.where(valid, jnp.float32(1.0), jnp.float32(0.0))
            rv = (jnp.where(lanes == 0, wx1, 0.0)
                  + jnp.where(lanes == 1, wy1, 0.0)
                  + jnp.where(lanes == 2, wx2, 0.0)
                  + jnp.where(lanes == 3, wy2, 0.0)
                  + jnp.where(lanes == 4, gm, 0.0)) * vf
            rowv[:] = rv
            pltpu.sync_copy(rowv, out.at[i])

        return 0

    lax.fori_loop(0, _MAX_OUT, step, 0)


@functools.partial(jax.jit, static_argnames=())
def _sc_nms(b0, b1, b2, b3, sp):
    mesh = plsc.VectorSubcoreMesh(
        core_axis_name="c", subcore_axis_name="s", num_cores=1)
    run = pl.kernel(
        _sc_body,
        out_type=jax.ShapeDtypeStruct((_MAX_OUT, 16), jnp.float32),
        mesh=mesh,
        compiler_params=pltpu.CompilerParams(needs_layout_passes=False),
        scratch_types=[
            pltpu.VMEM((_CHUNK,), jnp.float32),
            pltpu.VMEM((_CHUNK,), jnp.float32),
            pltpu.VMEM((_CHUNK,), jnp.float32),
            pltpu.VMEM((_CHUNK,), jnp.float32),
            pltpu.VMEM((_CHUNK,), jnp.float32),
            pltpu.VMEM((_CHUNK,), jnp.float32),
            pltpu.VMEM((16,), jnp.float32),
            pltpu.VMEM((_NSUB * 16,), jnp.float32),
            pltpu.VMEM((16,), jnp.float32),
            pltpu.VMEM_SHARED((_NSUB * 16,), jnp.float32),
        ],
    )
    return run(b0, b1, b2, b3, sp)


def kernel(boxes, scores):
    bp = jnp.pad(boxes, ((0, _PAD - _N), (0, 0)))
    sp = jnp.pad(scores, (0, _PAD - _N), constant_values=-1e30)
    out = _sc_nms(bp[:, 0], bp[:, 1], bp[:, 2], bp[:, 3], sp)
    return out[:, :5]

# --- scband reference (transcript-rebuilt; emitter-appended) ---
"""Pipeline reference for scband-network-16587163698006 (READ-ONLY COPY).

The authoritative reference and input builder live on the scoring server;
editing this copy changes nothing except your own understanding.
"""

import jax, jax.numpy as jnp
import numpy as np

N = 20000
IOU_THRESH = 0.5
MAX_OUT = 300


def setup_inputs(seed: int = 0) -> dict:
    key = jax.random.key(seed)
    k1, k2 = jax.random.split(key)
    boxes = jax.random.uniform(k1, (N, 4), dtype=jnp.float32)
    scores = jax.random.uniform(k2, (N,), dtype=jnp.float32)
    return {"boxes": boxes, "scores": scores}


def _nms(boxes, scores, iou_thresh=IOU_THRESH, max_out=MAX_OUT):
    # Canonicalize corners so x1<=x2, y1<=y2 (boxes are raw uniform floats).
    x1 = jnp.minimum(boxes[:, 0], boxes[:, 2])
    y1 = jnp.minimum(boxes[:, 1], boxes[:, 3])
    x2 = jnp.maximum(boxes[:, 0], boxes[:, 2])
    y2 = jnp.maximum(boxes[:, 1], boxes[:, 3])
    areas = (x2 - x1) * (y2 - y1)
    n = scores.shape[0]
    neg_inf = jnp.float32(-1e30)

    def step(mask, _):
        ms = jnp.where(mask, scores, neg_inf)
        idx = jnp.argmax(ms)
        is_valid = ms[idx] > neg_inf / 2
        ix1 = jnp.maximum(x1, x1[idx])
        iy1 = jnp.maximum(y1, y1[idx])
        ix2 = jnp.minimum(x2, x2[idx])
        iy2 = jnp.minimum(y2, y2[idx])
        iw = jnp.maximum(ix2 - ix1, 0.0)
        ih = jnp.maximum(iy2 - iy1, 0.0)
        inter = iw * ih
        iou = inter / (areas + areas[idx] - inter + 1e-8)
        keep = mask & (iou <= iou_thresh)
        keep = keep.at[idx].set(False)
        new_mask = jnp.where(is_valid, keep, mask)
        return new_mask, (idx.astype(jnp.int32), is_valid)

    mask0 = jnp.ones((n,), dtype=bool)
    _, (sel, valid) = jax.lax.scan(step, mask0, None, length=max_out)
    sel = jnp.where(valid, sel, 0)
    b4 = jnp.stack([x1, y1, x2, y2], axis=1)
    out_boxes = jnp.take(b4, sel, axis=0)
    out_scores = jnp.take(scores, sel)
    out = jnp.concatenate([out_boxes, out_scores[:, None]], axis=1)
    out = out * valid[:, None].astype(out.dtype)
    return out


def reference(boxes, scores):
    # Greedy hard-NMS: repeatedly take highest-scoring surviving box and
    # suppress all boxes with IoU > threshold. Output: [MAX_OUT, 5]
    # rows = (x1, y1, x2, y2, score), zero-padded past the number of keeps.
    return _nms(boxes, scores)

if __name__ == "__main__":
    import jax
    _d = setup_inputs()
    print(jax.jit(kernel)(*tuple(_d.values())))

</pallas_src>

<mosaic_0001>
#map = affine_map<(d0, d1) -> (0)>
#map1 = affine_map<(d0, d1) -> (0, 0)>
module attributes {stable_mosaic.version = 14 : i64} {
  func.func @_sc_body(%arg0: i32, %arg1: i32, %arg2: memref<20480xf32, #tpu.memory_space<hbm>>, %arg3: memref<20480xf32, #tpu.memory_space<hbm>>, %arg4: memref<20480xf32, #tpu.memory_space<hbm>>, %arg5: memref<20480xf32, #tpu.memory_space<hbm>>, %arg6: memref<20480xf32, #tpu.memory_space<hbm>>, %arg7: memref<300x16xf32, #tpu.memory_space<hbm>>, %arg8: memref<1280xf32, #tpu.memory_space<vmem>>, %arg9: memref<1280xf32, #tpu.memory_space<vmem>>, %arg10: memref<1280xf32, #tpu.memory_space<vmem>>, %arg11: memref<1280xf32, #tpu.memory_space<vmem>>, %arg12: memref<1280xf32, #tpu.memory_space<vmem>>, %arg13: memref<1280xf32, #tpu.memory_space<vmem>>, %arg14: memref<16xf32, #tpu.memory_space<vmem>>, %arg15: memref<256xf32, #tpu.memory_space<vmem>>, %arg16: memref<16xf32, #tpu.memory_space<vmem>>, %arg17: memref<256xf32, #tpu.memory_space<vmem_shared>>) attributes {dimension_semantics = [#tpu.dimension_semantics<core_parallel>, #tpu.dimension_semantics<subcore_parallel>], iteration_bounds = array<i64: 1, 16>, scalar_prefetch = 0 : i64, scratch_operands = 10 : i64, tpu.core_type = #tpu.core_type<sc_vector_subcore>, window_params = [{transform_indices = #map}, {transform_indices = #map}, {transform_indices = #map}, {transform_indices = #map}, {transform_indices = #map}, {transform_indices = #map1}]} {
    %mul3A = arith.constant 1280 : i32
    %mul3A_0 = arith.muli %arg1, %mul3A : i32
    "tpu.region"() ({
      %run_scoped3A = tpu.sem_alloc : memref<!tpu.dma_semaphore, #tpu.memory_space<semaphore_mem>>
      %dma_start3A = tpu.memref_slice %arg2[%mul3A_0] : memref<20480xf32, #tpu.memory_space<hbm>> -> memref<1280xf32, #tpu.memory_space<hbm>>
      %dma_start3A_14 = tpu.memref_slice %arg2[%mul3A_0] : memref<20480xf32, #tpu.memory_space<hbm>> -> memref<1280xf32, #tpu.memory_space<hbm>>
      tpu.enqueue_dma source(%dma_start3A_14 : memref<1280xf32, #tpu.memory_space<hbm>>) target(%arg8 : memref<1280xf32, #tpu.memory_space<vmem>>) target_semaphore(%run_scoped3A : memref<!tpu.dma_semaphore, #tpu.memory_space<semaphore_mem>>)
      %dma_wait3A = tpu.memref_slice %arg2[%mul3A_0] : memref<20480xf32, #tpu.memory_space<hbm>> -> memref<1280xf32, #tpu.memory_space<hbm>>
      %dma_wait3A_15 = tpu.memref_slice %arg2[%mul3A_0] : memref<20480xf32, #tpu.memory_space<hbm>> -> memref<1280xf32, #tpu.memory_space<hbm>>
      tpu.wait_dma2 semaphore(%run_scoped3A : memref<!tpu.dma_semaphore, #tpu.memory_space<semaphore_mem>>) src(%dma_wait3A_15 : memref<1280xf32, #tpu.memory_space<hbm>>) dst(%arg8 : memref<1280xf32, #tpu.memory_space<vmem>>)
      tpu.yield
    }) : () -> ()
    "tpu.region"() ({
      %run_scoped3A = tpu.sem_alloc : memref<!tpu.dma_semaphore, #tpu.memory_space<semaphore_mem>>
      %dma_start3A = tpu.memref_slice %arg4[%mul3A_0] : memref<20480xf32, #tpu.memory_space<hbm>> -> memref<1280xf32, #tpu.memory_space<hbm>>
      %dma_start3A_14 = tpu.memref_slice %arg4[%mul3A_0] : memref<20480xf32, #tpu.memory_space<hbm>> -> memref<1280xf32, #tpu.memory_space<hbm>>
      tpu.enqueue_dma source(%dma_start3A_14 : memref<1280xf32, #tpu.memory_space<hbm>>) target(%arg10 : memref<1280xf32, #tpu.memory_space<vmem>>) target_semaphore(%run_scoped3A : memref<!tpu.dma_semaphore, #tpu.memory_space<semaphore_mem>>)
      %dma_wait3A = tpu.memref_slice %arg4[%mul3A_0] : memref<20480xf32, #tpu.memory_space<hbm>> -> memref<1280xf32, #tpu.memory_space<hbm>>
      %dma_wait3A_15 = tpu.memref_slice %arg4[%mul3A_0] : memref<20480xf32, #tpu.memory_space<hbm>> -> memref<1280xf32, #tpu.memory_space<hbm>>
      tpu.wait_dma2 semaphore(%run_scoped3A : memref<!tpu.dma_semaphore, #tpu.memory_space<semaphore_mem>>) src(%dma_wait3A_15 : memref<1280xf32, #tpu.memory_space<hbm>>) dst(%arg10 : memref<1280xf32, #tpu.memory_space<vmem>>)
      tpu.yield
    }) : () -> ()
    "tpu.region"() ({
      %run_scoped3A = tpu.sem_alloc : memref<!tpu.dma_semaphore, #tpu.memory_space<semaphore_mem>>
      %dma_start3A = tpu.memref_slice %arg3[%mul3A_0] : memref<20480xf32, #tpu.memory_space<hbm>> -> memref<1280xf32, #tpu.memory_space<hbm>>
      %dma_start3A_14 = tpu.memref_slice %arg3[%mul3A_0] : memref<20480xf32, #tpu.memory_space<hbm>> -> memref<1280xf32, #tpu.memory_space<hbm>>
      tpu.enqueue_dma source(%dma_start3A_14 : memref<1280xf32, #tpu.memory_space<hbm>>) target(%arg9 : memref<1280xf32, #tpu.memory_space<vmem>>) target_semaphore(%run_scoped3A : memref<!tpu.dma_semaphore, #tpu.memory_space<semaphore_mem>>)
      %dma_wait3A = tpu.memref_slice %arg3[%mul3A_0] : memref<20480xf32, #tpu.memory_space<hbm>> -> memref<1280xf32, #tpu.memory_space<hbm>>
      %dma_wait3A_15 = tpu.memref_slice %arg3[%mul3A_0] : memref<20480xf32, #tpu.memory_space<hbm>> -> memref<1280xf32, #tpu.memory_space<hbm>>
      tpu.wait_dma2 semaphore(%run_scoped3A : memref<!tpu.dma_semaphore, #tpu.memory_space<semaphore_mem>>) src(%dma_wait3A_15 : memref<1280xf32, #tpu.memory_space<hbm>>) dst(%arg9 : memref<1280xf32, #tpu.memory_space<vmem>>)
      tpu.yield
    }) : () -> ()
    "tpu.region"() ({
      %run_scoped3A = tpu.sem_alloc : memref<!tpu.dma_semaphore, #tpu.memory_space<semaphore_mem>>
      %dma_start3A = tpu.memref_slice %arg5[%mul3A_0] : memref<20480xf32, #tpu.memory_space<hbm>> -> memref<1280xf32, #tpu.memory_space<hbm>>
      %dma_start3A_14 = tpu.memref_slice %arg5[%mul3A_0] : memref<20480xf32, #tpu.memory_space<hbm>> -> memref<1280xf32, #tpu.memory_space<hbm>>
      tpu.enqueue_dma source(%dma_start3A_14 : memref<1280xf32, #tpu.memory_space<hbm>>) target(%arg11 : memref<1280xf32, #tpu.memory_space<vmem>>) target_semaphore(%run_scoped3A : memref<!tpu.dma_semaphore, #tpu.memory_space<semaphore_mem>>)
      %dma_wait3A = tpu.memref_slice %arg5[%mul3A_0] : memref<20480xf32, #tpu.memory_space<hbm>> -> memref<1280xf32, #tpu.memory_space<hbm>>
      %dma_wait3A_15 = tpu.memref_slice %arg5[%mul3A_0] : memref<20480xf32, #tpu.memory_space<hbm>> -> memref<1280xf32, #tpu.memory_space<hbm>>
      tpu.wait_dma2 semaphore(%run_scoped3A : memref<!tpu.dma_semaphore, #tpu.memory_space<semaphore_mem>>) src(%dma_wait3A_15 : memref<1280xf32, #tpu.memory_space<hbm>>) dst(%arg11 : memref<1280xf32, #tpu.memory_space<vmem>>)
      tpu.yield
    }) : () -> ()
    "tpu.region"() ({
      %run_scoped3A = tpu.sem_alloc : memref<!tpu.dma_semaphore, #tpu.memory_space<semaphore_mem>>
      %dma_start3A = tpu.memref_slice %arg6[%mul3A_0] : memref<20480xf32, #tpu.memory_space<hbm>> -> memref<1280xf32, #tpu.memory_space<hbm>>
      %dma_start3A_14 = tpu.memref_slice %arg6[%mul3A_0] : memref<20480xf32, #tpu.memory_space<hbm>> -> memref<1280xf32, #tpu.memory_space<hbm>>
      tpu.enqueue_dma source(%dma_start3A_14 : memref<1280xf32, #tpu.memory_space<hbm>>) target(%arg13 : memref<1280xf32, #tpu.memory_space<vmem>>) target_semaphore(%run_scoped3A : memref<!tpu.dma_semaphore, #tpu.memory_space<semaphore_mem>>)
      %dma_wait3A = tpu.memref_slice %arg6[%mul3A_0] : memref<20480xf32, #tpu.memory_space<hbm>> -> memref<1280xf32, #tpu.memory_space<hbm>>
      %dma_wait3A_15 = tpu.memref_slice %arg6[%mul3A_0] : memref<20480xf32, #tpu.memory_space<hbm>> -> memref<1280xf32, #tpu.memory_space<hbm>>
      tpu.wait_dma2 semaphore(%run_scoped3A : memref<!tpu.dma_semaphore, #tpu.memory_space<semaphore_mem>>) src(%dma_wait3A_15 : memref<1280xf32, #tpu.memory_space<hbm>>) dst(%arg13 : memref<1280xf32, #tpu.memory_space<vmem>>)
      tpu.yield
    }) : () -> ()
    %iota3A = tpu.iota {dimensions = array<i32: 0>} : vector<16xi32>
    %scan3A = arith.constant 0 : i32
    %scan3A_1 = arith.constant 0 : i32
    %scan3A_2 = arith.constant 80 : i32
    %scan3A_3 = arith.addi %scan3A_1, %scan3A_2 : i32
    %scan3A_4 = arith.constant 1 : i32
    %scan3A_5 = scf.for %scan3A_14 = %scan3A_1 to %scan3A_3 step %scan3A_4 iter_args(%scan3A_15 = %scan3A) -> (i32)  : i32 {
      %mul3A_16 = arith.constant 16 : i32
      %mul3A_17 = arith.muli %scan3A_14, %mul3A_16 : i32
      %get3A = arith.index_cast %mul3A_17 : i32 to index
      %get3A_18 = tpu.vector_load %arg8[%get3A] {strides = array<i32>} : memref<1280xf32, #tpu.memory_space<vmem>>, vector<16xf32>,
      %get3A_19 = arith.index_cast %mul3A_17 : i32 to index
      %get3A_20 = tpu.vector_load %arg10[%get3A_19] {strides = array<i32>} : memref<1280xf32, #tpu.memory_space<vmem>>, vector<16xf32>,
      %min3A = arith.minimumf %get3A_18, %get3A_20 : vector<16xf32>
      %max3A = arith.maximumf %get3A_18, %get3A_20 : vector<16xf32>
      %swap3A = arith.index_cast %mul3A_17 : i32 to index
      %swap3A_21 = tpu.vector_load %arg8[%swap3A] {strides = array<i32>} : memref<1280xf32, #tpu.memory_space<vmem>>, vector<16xf32>,
      tpu.vector_store %arg8[%swap3A], %min3A {strides = array<i32>} : memref<1280xf32, #tpu.memory_space<vmem>>, vector<16xf32>,
      %swap3A_22 = arith.index_cast %mul3A_17 : i32 to index
      %swap3A_23 = tpu.vector_load %arg10[%swap3A_22] {strides = array<i32>} : memref<1280xf32, #tpu.memory_space<vmem>>, vector<16xf32>,
      tpu.vector_store %arg10[%swap3A_22], %max3A {strides = array<i32>} : memref<1280xf32, #tpu.memory_space<vmem>>, vector<16xf32>,
      %get3A_24 = arith.index_cast %mul3A_17 : i32 to index
      %get3A_25 = tpu.vector_load %arg9[%get3A_24] {strides = array<i32>} : memref<1280xf32, #tpu.memory_space<vmem>>, vector<16xf32>,
      %get3A_26 = arith.index_cast %mul3A_17 : i32 to index
      %get3A_27 = tpu.vector_load %arg11[%get3A_26] {strides = array<i32>} : memref<1280xf32, #tpu.memory_space<vmem>>, vector<16xf32>,
      %min3A_28 = arith.minimumf %get3A_25, %get3A_27 : vector<16xf32>
      %max3A_29 = arith.maximumf %get3A_25, %get3A_27 : vector<16xf32>
      %swap3A_30 = arith.index_cast %mul3A_17 : i32 to index
      %swap3A_31 = tpu.vector_load %arg9[%swap3A_30] {strides = array<i32>} : memref<1280xf32, #tpu.memory_space<vmem>>, vector<16xf32>,
      tpu.vector_store %arg9[%swap3A_30], %min3A_28 {strides = array<i32>} : memref<1280xf32, #tpu.memory_space<vmem>>, vector<16xf32>,
      %swap3A_32 = arith.index_cast %mul3A_17 : i32 to index
      %swap3A_33 = tpu.vector_load %arg11[%swap3A_32] {strides = array<i32>} : memref<1280xf32, #tpu.memory_space<vmem>>, vector<16xf32>,
      tpu.vector_store %arg11[%swap3A_32], %max3A_29 {strides = array<i32>} : memref<1280xf32, #tpu.memory_space<vmem>>, vector<16xf32>,
      %sub3A = arith.subf %max3A, %min3A : vector<16xf32>
      %sub3A_34 = arith.subf %max3A_29, %min3A_28 : vector<16xf32>
      %mul3A_35 = arith.mulf %sub3A, %sub3A_34 : vector<16xf32>
      %swap3A_36 = arith.index_cast %mul3A_17 : i32 to index
      %swap3A_37 = tpu.vector_load %arg12[%swap3A_36] {strides = array<i32>} : memref<1280xf32, #tpu.memory_space<vmem>>, vector<16xf32>,
      tpu.vector_store %arg12[%swap3A_36], %mul3A_35 {strides = array<i32>} : memref<1280xf32, #tpu.memory_space<vmem>>, vector<16xf32>,
      %scan3A_38 = arith.constant 0 : i32
      scf.yield %scan3A_38 : i32
    }
    %scan3A_6 = arith.constant 80 : i32
    %scan3A_7 = arith.constant 0 : i32
    %scan3A_8 = arith.constant 0 : i32
    %scan3A_9 = arith.constant 300 : i32
    %scan3A_10 = arith.addi %scan3A_8, %scan3A_9 : i32
    %scan3A_11 = arith.constant 1 : i32
    %scan3A_12 = scf.for %scan3A_14 = %scan3A_8 to %scan3A_10 step %scan3A_11 iter_args(%scan3A_15 = %scan3A_7) -> (i32)  : i32 {
      %broadcast_in_dim3A = arith.constant -1.000000e+30 : f32
      %broadcast_in_dim3A_16 = vector.broadcast %broadcast_in_dim3A : f32 to vector<16xf32>
      %broadcast_in_dim3A_17 = arith.constant 0 : i32
      %broadcast_in_dim3A_18 = vector.broadcast %broadcast_in_dim3A_17 : i32 to vector<16xi32>
      %broadcast_in_dim3A_19 = arith.constant -1.000000e+30 : f32
      %broadcast_in_dim3A_20 = vector.broadcast %broadcast_in_dim3A_19 : f32 to vector<16xf32>
      %broadcast_in_dim3A_21 = arith.constant 0 : i32
      %broadcast_in_dim3A_22 = vector.broadcast %broadcast_in_dim3A_21 : i32 to vector<16xi32>
      %broadcast_in_dim3A_23 = arith.constant -1.000000e+30 : f32
      %broadcast_in_dim3A_24 = vector.broadcast %broadcast_in_dim3A_23 : f32 to vector<16xf32>
      %broadcast_in_dim3A_25 = arith.constant 0 : i32
      %broadcast_in_dim3A_26 = vector.broadcast %broadcast_in_dim3A_25 : i32 to vector<16xi32>
      %broadcast_in_dim3A_27 = arith.constant -1.000000e+30 : f32
      %broadcast_in_dim3A_28 = vector.broadcast %broadcast_in_dim3A_27 : f32 to vector<16xf32>
      %broadcast_in_dim3A_29 = arith.constant 0 : i32
      %broadcast_in_dim3A_30 = vector.broadcast %broadcast_in_dim3A_29 : i32 to vector<16xi32>
      %broadcast_in_dim3A_31 = arith.constant -1.000000e+30 : f32
      %broadcast_in_dim3A_32 = vector.broadcast %broadcast_in_dim3A_31 : f32 to vector<16xf32>
      %broadcast_in_dim3A_33 = arith.constant 0 : i32
      %broadcast_in_dim3A_34 = vector.broadcast %broadcast_in_dim3A_33 : i32 to vector<16xi32>
      %broadcast_in_dim3A_35 = arith.constant -1.000000e+30 : f32
      %broadcast_in_dim3A_36 = vector.broadcast %broadcast_in_dim3A_35 : f32 to vector<16xf32>
      %broadcast_in_dim3A_37 = arith.constant 0 : i32
      %broadcast_in_dim3A_38 = vector.broadcast %broadcast_in_dim3A_37 : i32 to vector<16xi32>
      %broadcast_in_dim3A_39 = arith.constant -1.000000e+30 : f32
      %broadcast_in_dim3A_40 = vector.broadcast %broadcast_in_dim3A_39 : f32 to vector<16xf32>
      %broadcast_in_dim3A_41 = arith.constant 0 : i32
      %broadcast_in_dim3A_42 = vector.broadcast %broadcast_in_dim3A_41 : i32 to vector<16xi32>
      %broadcast_in_dim3A_43 = arith.constant -1.000000e+30 : f32
      %broadcast_in_dim3A_44 = vector.broadcast %broadcast_in_dim3A_43 : f32 to vector<16xf32>
      %broadcast_in_dim3A_45 = arith.constant 0 : i32
      %broadcast_in_dim3A_46 = vector.broadcast %broadcast_in_dim3A_45 : i32 to vector<16xi32>
      %scan3A_47 = arith.constant 0 : i32
      %scan3A_48 = arith.constant 10 : i32
      %scan3A_49 = arith.addi %scan3A_47, %scan3A_48 : i32
      %scan3A_50 = arith.constant 1 : i32
      %scan3A_51:16 = scf.for %scan3A_254 = %scan3A_47 to %scan3A_49 step %scan3A_50 iter_args(%scan3A_255 = %broadcast_in_dim3A_16, %scan3A_256 = %broadcast_in_dim3A_18, %scan3A_257 = %broadcast_in_dim3A_20, %scan3A_258 = %broadcast_in_dim3A_22, %scan3A_259 = %broadcast_in_dim3A_24, %scan3A_260 = %broadcast_in_dim3A_26, %scan3A_261 = %broadcast_in_dim3A_28, %scan3A_262 = %broadcast_in_dim3A_30, %scan3A_263 = %broadcast_in_dim3A_32, %scan3A_264 = %broadcast_in_dim3A_34, %scan3A_265 = %broadcast_in_dim3A_36, %scan3A_266 = %broadcast_in_dim3A_38, %scan3A_267 = %broadcast_in_dim3A_40, %scan3A_268 = %broadcast_in_dim3A_42, %scan3A_269 = %broadcast_in_dim3A_44, %scan3A_270 = %broadcast_in_dim3A_46) -> (vector<16xf32>, vector<16xi32>, vector<16xf32>, vector<16xi32>, vector<16xf32>, vector<16xi32>, vector<16xf32>, vector<16xi32>, vector<16xf32>, vector<16xi32>, vector<16xf32>, vector<16xi32>, vector<16xf32>, vector<16xi32>, vector<16xf32>, vector<16xi32>)  : i32 {
        %add3A_271 = arith.constant 0 : i32
        %add3A_272 = arith.addi %scan3A_254, %add3A_271 : i32
        %mul3A_273 = arith.constant 16 : i32
        %mul3A_274 = arith.muli %add3A_272, %mul3A_273 : i32
        %get3A = arith.index_cast %mul3A_274 : i32 to index
        %get3A_275 = tpu.vector_load %arg13[%get3A] {strides = array<i32>} : memref<1280xf32, #tpu.memory_space<vmem>>, vector<16xf32>,
        %mul3A_276 = arith.constant 16 : i32
        %mul3A_277 = arith.muli %add3A_272, %mul3A_276 : i32
        %add3A_278 = vector.broadcast %mul3A_277 : i32 to vector<16xi32>
        %add3A_279 = arith.addi %add3A_278, %iota3A : vector<16xi32>
        %gt3A_280 = arith.cmpf ogt, %get3A_275, %scan3A_255 : vector<16xf32>
        %select_n3A_281 = arith.select %gt3A_280, %get3A_275, %scan3A_255 : vector<16xi1>, vector<16xf32>
        %select_n3A_282 = arith.select %gt3A_280, %add3A_279, %scan3A_256 : vector<16xi1>, vector<16xi32>
        %add3A_283 = arith.constant 10 : i32
        %add3A_284 = arith.addi %scan3A_254, %add3A_283 : i32
        %mul3A_285 = arith.constant 16 : i32
        %mul3A_286 = arith.muli %add3A_284, %mul3A_285 : i32
        %get3A_287 = arith.index_cast %mul3A_286 : i32 to index
        %get3A_288 = tpu.vector_load %arg13[%get3A_287] {strides = array<i32>} : memref<1280xf32, #tpu.memory_space<vmem>>, vector<16xf32>,
        %mul3A_289 = arith.constant 16 : i32
        %mul3A_290 = arith.muli %add3A_284, %mul3A_289 : i32
        %add3A_291 = vector.broadcast %mul3A_290 : i32 to vector<16xi32>
        %add3A_292 = arith.addi %add3A_291, %iota3A : vector<16xi32>
        %gt3A_293 = arith.cmpf ogt, %get3A_288, %scan3A_257 : vector<16xf32>
        %select_n3A_294 = arith.select %gt3A_293, %get3A_288, %scan3A_257 : vector<16xi1>, vector<16xf32>
        %select_n3A_295 = arith.select %gt3A_293, %add3A_292, %scan3A_258 : vector<16xi1>, vector<16xi32>
        %add3A_296 = arith.constant 20 : i32
        %add3A_297 = arith.addi %scan3A_254, %add3A_296 : i32
        %mul3A_298 = arith.constant 16 : i32
        %mul3A_299 = arith.muli %add3A_297, %mul3A_298 : i32
        %get3A_300 = arith.index_cast %mul3A_299 : i32 to index
        %get3A_301 = tpu.vector_load %arg13[%get3A_300] {strides = array<i32>} : memref<1280xf32, #tpu.memory_space<vmem>>, vector<16xf32>,
        %mul3A_302 = arith.constant 16 : i32
        %mul3A_303 = arith.muli %add3A_297, %mul3A_302 : i32
        %add3A_304 = vector.broadcast %mul3A_303 : i32 to vector<16xi32>
        %add3A_305 = arith.addi %add3A_304, %iota3A : vector<16xi32>
        %gt3A_306 = arith.cmpf ogt, %get3A_301, %scan3A_259 : vector<16xf32>
        %select_n3A_307 = arith.select %gt3A_306, %get3A_301, %scan3A_259 : vector<16xi1>, vector<16xf32>
        %select_n3A_308 = arith.select %gt3A_306, %add3A_305, %scan3A_260 : vector<16xi1>, vector<16xi32>
        %add3A_309 = arith.constant 30 : i32
        %add3A_310 = arith.addi %scan3A_254, %add3A_309 : i32
        %mul3A_311 = arith.constant 16 : i32
        %mul3A_312 = arith.muli %add3A_310, %mul3A_311 : i32
        %get3A_313 = arith.index_cast %mul3A_312 : i32 to index
        %get3A_314 = tpu.vector_load %arg13[%get3A_313] {strides = array<i32>} : memref<1280xf32, #tpu.memory_space<vmem>>, vector<16xf32>,
        %mul3A_315 = arith.constant 16 : i32
        %mul3A_316 = arith.muli %add3A_310, %mul3A_315 : i32
        %add3A_317 = vector.broadcast %mul3A_316 : i32 to vector<16xi32>
        %add3A_318 = arith.addi %add3A_317, %iota3A : vector<16xi32>
        %gt3A_319 = arith.cmpf ogt, %get3A_314, %scan3A_261 : vector<16xf32>
        %select_n3A_320 = arith.select %gt3A_319, %get3A_314, %scan3A_261 : vector<16xi1>, vector<16xf32>
        %select_n3A_321 = arith.select %gt3A_319, %add3A_318, %scan3A_262 : vector<16xi1>, vector<16xi32>
        %add3A_322 = arith.constant 40 : i32
        %add3A_323 = arith.addi %scan3A_254, %add3A_322 : i32
        %mul3A_324 = arith.constant 16 : i32
        %mul3A_325 = arith.muli %add3A_323, %mul3A_324 : i32
        %get3A_326 = arith.index_cast %mul3A_325 : i32 to index
        %get3A_327 = tpu.vector_load %arg13[%get3A_326] {strides = array<i32>} : memref<1280xf32, #tpu.memory_space<vmem>>, vector<16xf32>,
        %mul3A_328 = arith.constant 16 : i32
        %mul3A_329 = arith.muli %add3A_323, %mul3A_328 : i32
        %add3A_330 = vector.broadcast %mul3A_329 : i32 to vector<16xi32>
        %add3A_331 = arith.addi %add3A_330, %iota3A : vector<16xi32>
        %gt3A_332 = arith.cmpf ogt, %get3A_327, %scan3A_263 : vector<16xf32>
        %select_n3A_333 = arith.select %gt3A_332, %get3A_327, %scan3A_263 : vector<16xi1>, vector<16xf32>
        %select_n3A_334 = arith.select %gt3A_332, %add3A_331, %scan3A_264 : vector<16xi1>, vector<16xi32>
        %add3A_335 = arith.constant 50 : i32
        %add3A_336 = arith.addi %scan3A_254, %add3A_335 : i32
        %mul3A_337 = arith.constant 16 : i32
        %mul3A_338 = arith.muli %add3A_336, %mul3A_337 : i32
        %get3A_339 = arith.index_cast %mul3A_338 : i32 to index
        %get3A_340 = tpu.vector_load %arg13[%get3A_339] {strides = array<i32>} : memref<1280xf32, #tpu.memory_space<vmem>>, vector<16xf32>,
        %mul3A_341 = arith.constant 16 : i32
        %mul3A_342 = arith.muli %add3A_336, %mul3A_341 : i32
        %add3A_343 = vector.broadcast %mul3A_342 : i32 to vector<16xi32>
        %add3A_344 = arith.addi %add3A_343, %iota3A : vector<16xi32>
        %gt3A_345 = arith.cmpf ogt, %get3A_340, %scan3A_265 : vector<16xf32>
        %select_n3A_346 = arith.select %gt3A_345, %get3A_340, %scan3A_265 : vector<16xi1>, vector<16xf32>
        %select_n3A_347 = arith.select %gt3A_345, %add3A_344, %scan3A_266 : vector<16xi1>, vector<16xi32>
        %add3A_348 = arith.constant 60 : i32
        %add3A_349 = arith.addi %scan3A_254, %add3A_348 : i32
        %mul3A_350 = arith.constant 16 : i32
        %mul3A_351 = arith.muli %add3A_349, %mul3A_350 : i32
        %get3A_352 = arith.index_cast %mul3A_351 : i32 to index
        %get3A_353 = tpu.vector_load %arg13[%get3A_352] {strides = array<i32>} : memref<1280xf32, #tpu.memory_space<vmem>>, vector<16xf32>,
        %mul3A_354 = arith.constant 16 : i32
        %mul3A_355 = arith.muli %add3A_349, %mul3A_354 : i32
        %add3A_356 = vector.broadcast %mul3A_355 : i32 to vector<16xi32>
        %add3A_357 = arith.addi %add3A_356, %iota3A : vector<16xi32>
        %gt3A_358 = arith.cmpf ogt, %get3A_353, %scan3A_267 : vector<16xf32>
        %select_n3A_359 = arith.select %gt3A_358, %get3A_353, %scan3A_267 : vector<16xi1>, vector<16xf32>
        %select_n3A_360 = arith.select %gt3A_358, %add3A_357, %scan3A_268 : vector<16xi1>, vector<16xi32>
        %add3A_361 = arith.constant 70 : i32
        %add3A_362 = arith.addi %scan3A_254, %add3A_361 : i32
        %mul3A_363 = arith.constant 16 : i32
        %mul3A_364 = arith.muli %add3A_362, %mul3A_363 : i32
        %get3A_365 = arith.index_cast %mul3A_364 : i32 to index
        %get3A_366 = tpu.vector_load %arg13[%get3A_365] {strides = array<i32>} : memref<1280xf32, #tpu.memory_space<vmem>>, vector<16xf32>,
        %mul3A_367 = arith.constant 16 : i32
        %mul3A_368 = arith.muli %add3A_362, %mul3A_367 : i32
        %add3A_369 = vector.broadcast %mul3A_368 : i32 to vector<16xi32>
        %add3A_370 = arith.addi %add3A_369, %iota3A : vector<16xi32>
        %gt3A_371 = arith.cmpf ogt, %get3A_366, %scan3A_269 : vector<16xf32>
        %select_n3A_372 = arith.select %gt3A_371, %get3A_366, %scan3A_269 : vector<16xi1>, vector<16xf32>
        %select_n3A_373 = arith.select %gt3A_371, %add3A_370, %scan3A_270 : vector<16xi1>, vector<16xi32>
        scf.yield %select_n3A_281, %select_n3A_282, %select_n3A_294, %select_n3A_295, %select_n3A_307, %select_n3A_308, %select_n3A_320, %select_n3A_321, %select_n3A_333, %select_n3A_334, %select_n3A_346, %select_n3A_347, %select_n3A_359, %select_n3A_360, %select_n3A_372, %select_n3A_373 : vector<16xf32>, vector<16xi32>, vector<16xf32>, vector<16xi32>, vector<16xf32>, vector<16xi32>, vector<16xf32>, vector<16xi32>, vector<16xf32>, vector<16xi32>, vector<16xf32>, vector<16xi32>, vector<16xf32>, vector<16xi32>, vector<16xf32>, vector<16xi32>
      }
      %scan3A_52 = arith.constant 10 : i32
      %gt3A = arith.cmpf ogt, %scan3A_51#2, %scan3A_51#0 : vector<16xf32>
      %eq3A = arith.cmpf oeq, %scan3A_51#2, %scan3A_51#0 : vector<16xf32>
      %lt3A = arith.cmpi slt, %scan3A_51#3, %scan3A_51#1 : vector<16xi32>
      %and3A = arith.andi %eq3A, %lt3A : vector<16xi1>
      %or3A = arith.ori %gt3A, %and3A : vector<16xi1>
      %select_n3A = arith.select %or3A, %scan3A_51#2, %scan3A_51#0 : vector<16xi1>, vector<16xf32>
      %select_n3A_53 = arith.select %or3A, %scan3A_51#3, %scan3A_51#1 : vector<16xi1>, vector<16xi32>
      %gt3A_54 = arith.cmpf ogt, %scan3A_51#4, %select_n3A : vector<16xf32>
      %eq3A_55 = arith.cmpf oeq, %scan3A_51#4, %select_n3A : vector<16xf32>
      %lt3A_56 = arith.cmpi slt, %scan3A_51#5, %select_n3A_53 : vector<16xi32>
      %and3A_57 = arith.andi %eq3A_55, %lt3A_56 : vector<16xi1>
      %or3A_58 = arith.ori %gt3A_54, %and3A_57 : vector<16xi1>
      %select_n3A_59 = arith.select %or3A_58, %scan3A_51#4, %select_n3A : vector<16xi1>, vector<16xf32>
      %select_n3A_60 = arith.select %or3A_58, %scan3A_51#5, %select_n3A_53 : vector<16xi1>, vector<16xi32>
      %gt3A_61 = arith.cmpf ogt, %scan3A_51#6, %select_n3A_59 : vector<16xf32>
      %eq3A_62 = arith.cmpf oeq, %scan3A_51#6, %select_n3A_59 : vector<16xf32>
      %lt3A_63 = arith.cmpi slt, %scan3A_51#7, %select_n3A_60 : vector<16xi32>
      %and3A_64 = arith.andi %eq3A_62, %lt3A_63 : vector<16xi1>
      %or3A_65 = arith.ori %gt3A_61, %and3A_64 : vector<16xi1>
      %select_n3A_66 = arith.select %or3A_65, %scan3A_51#6, %select_n3A_59 : vector<16xi1>, vector<16xf32>
      %select_n3A_67 = arith.select %or3A_65, %scan3A_51#7, %select_n3A_60 : vector<16xi1>, vector<16xi32>
      %gt3A_68 = arith.cmpf ogt, %scan3A_51#8, %select_n3A_66 : vector<16xf32>
      %eq3A_69 = arith.cmpf oeq, %scan3A_51#8, %select_n3A_66 : vector<16xf32>
      %lt3A_70 = arith.cmpi slt, %scan3A_51#9, %select_n3A_67 : vector<16xi32>
      %and3A_71 = arith.andi %eq3A_69, %lt3A_70 : vector<16xi1>
      %or3A_72 = arith.ori %gt3A_68, %and3A_71 : vector<16xi1>
      %select_n3A_73 = arith.select %or3A_72, %scan3A_51#8, %select_n3A_66 : vector<16xi1>, vector<16xf32>
      %select_n3A_74 = arith.select %or3A_72, %scan3A_51#9, %select_n3A_67 : vector<16xi1>, vector<16xi32>
      %gt3A_75 = arith.cmpf ogt, %scan3A_51#10, %select_n3A_73 : vector<16xf32>
      %eq3A_76 = arith.cmpf oeq, %scan3A_51#10, %select_n3A_73 : vector<16xf32>
      %lt3A_77 = arith.cmpi slt, %scan3A_51#11, %select_n3A_74 : vector<16xi32>
      %and3A_78 = arith.andi %eq3A_76, %lt3A_77 : vector<16xi1>
      %or3A_79 = arith.ori %gt3A_75, %and3A_78 : vector<16xi1>
      %select_n3A_80 = arith.select %or3A_79, %scan3A_51#10, %select_n3A_73 : vector<16xi1>, vector<16xf32>
      %select_n3A_81 = arith.select %or3A_79, %scan3A_51#11, %select_n3A_74 : vector<16xi1>, vector<16xi32>
      %gt3A_82 = arith.cmpf ogt, %scan3A_51#12, %select_n3A_80 : vector<16xf32>
      %eq3A_83 = arith.cmpf oeq, %scan3A_51#12, %select_n3A_80 : vector<16xf32>
      %lt3A_84 = arith.cmpi slt, %scan3A_51#13, %select_n3A_81 : vector<16xi32>
      %and3A_85 = arith.andi %eq3A_83, %lt3A_84 : vector<16xi1>
      %or3A_86 = arith.ori %gt3A_82, %and3A_85 : vector<16xi1>
      %select_n3A_87 = arith.select %or3A_86, %scan3A_51#12, %select_n3A_80 : vector<16xi1>, vector<16xf32>
      %select_n3A_88 = arith.select %or3A_86, %scan3A_51#13, %select_n3A_81 : vector<16xi1>, vector<16xi32>
      %gt3A_89 = arith.cmpf ogt, %scan3A_51#14, %select_n3A_87 : vector<16xf32>
      %eq3A_90 = arith.cmpf oeq, %scan3A_51#14, %select_n3A_87 : vector<16xf32>
      %lt3A_91 = arith.cmpi slt, %scan3A_51#15, %select_n3A_88 : vector<16xi32>
      %and3A_92 = arith.andi %eq3A_90, %lt3A_91 : vector<16xi1>
      %or3A_93 = arith.ori %gt3A_89, %and3A_92 : vector<16xi1>
      %select_n3A_94 = arith.select %or3A_93, %scan3A_51#14, %select_n3A_87 : vector<16xi1>, vector<16xf32>
      %select_n3A_95 = arith.select %or3A_93, %scan3A_51#15, %select_n3A_88 : vector<16xi1>, vector<16xi32>
      %reduce_max3A = arith.constant true
      %reduce_max3A_96 = vector.broadcast %reduce_max3A : i1 to vector<16xi1>
      %reduce_max3A_97 = tpu.scan <max>, %select_n3A_94 masked %reduce_max3A_96 : vector<16xf32>, vector<16xi1> -> vector<16xf32>
      %reduce_max3A_98 = vector.extract %reduce_max3A_97[15] : f32 from vector<16xf32>
      %eq3A_99 = vector.broadcast %reduce_max3A_98 : f32 to vector<16xf32>
      %eq3A_100 = arith.cmpf oeq, %select_n3A_94, %eq3A_99 : vector<16xf32>
      %jit3A = arith.constant 1073741824 : i32
      %broadcast_in_dim3A_101 = vector.broadcast %jit3A : i32 to vector<16xi32>
      %select_n3A_102 = arith.select %eq3A_100, %select_n3A_95, %broadcast_in_dim3A_101 : vector<16xi1>, vector<16xi32>
      %reduce_min3A = arith.constant true
      %reduce_min3A_103 = vector.broadcast %reduce_min3A : i1 to vector<16xi1>
      %reduce_min3A_104 = arith.constant -2147483648 : i32
      %reduce_min3A_105 = vector.broadcast %reduce_min3A_104 : i32 to vector<16xi32>
      %reduce_min3A_106 = arith.xori %select_n3A_102, %reduce_min3A_105 : vector<16xi32>
      %reduce_min3A_107 = tpu.scan <min>, %reduce_min3A_106 masked %reduce_min3A_103 : vector<16xi32>, vector<16xi1> -> vector<16xi32>
      %reduce_min3A_108 = arith.xori %reduce_min3A_107, %reduce_min3A_105 : vector<16xi32>
      %reduce_min3A_109 = vector.extract %reduce_min3A_108[15] : i32 from vector<16xi32>
      %add3A = arith.addi %mul3A_0, %reduce_min3A_109 : i32
      %broadcast_in_dim3A_110 = arith.constant 0 : i32
      %broadcast_in_dim3A_111 = vector.broadcast %broadcast_in_dim3A_110 : i32 to vector<16xi32>
      %add3A_112 = vector.broadcast %reduce_min3A_109 : i32 to vector<16xi32>
      %add3A_113 = arith.addi %broadcast_in_dim3A_111, %add3A_112 : vector<16xi32>
      %gather3A = tpu.vector_load_idx %arg8[%add3A_113] : memref<1280xf32, #tpu.memory_space<vmem>>[vector<16xi32>], vector<16xf32>,
      %gather3A_114 = tpu.vector_load_idx %arg9[%add3A_113] : memref<1280xf32, #tpu.memory_space<vmem>>[vector<16xi32>], vector<16xf32>,
      %gather3A_115 = tpu.vector_load_idx %arg10[%add3A_113] : memref<1280xf32, #tpu.memory_space<vmem>>[vector<16xi32>], vector<16xf32>,
      %gather3A_116 = tpu.vector_load_idx %arg11[%add3A_113] : memref<1280xf32, #tpu.memory_space<vmem>>[vector<16xi32>], vector<16xf32>,
      %gather3A_117 = tpu.vector_load_idx %arg12[%add3A_113] : memref<1280xf32, #tpu.memory_space<vmem>>[vector<16xi32>], vector<16xf32>,
      %eq3A_118 = arith.constant 0 : i32
      %eq3A_119 = vector.broadcast %eq3A_118 : i32 to vector<16xi32>
      %eq3A_120 = arith.cmpi eq, %iota3A, %eq3A_119 : vector<16xi32>
      %eq3A_121 = arith.constant 1 : i32
      %eq3A_122 = vector.broadcast %eq3A_121 : i32 to vector<16xi32>
      %eq3A_123 = arith.cmpi eq, %iota3A, %eq3A_122 : vector<16xi32>
      %convert_element_type3A = arith.sitofp %add3A : i32 to f32
      %eq3A_124 = arith.constant 2 : i32
      %eq3A_125 = vector.broadcast %eq3A_124 : i32 to vector<16xi32>
      %eq3A_126 = arith.cmpi eq, %iota3A, %eq3A_125 : vector<16xi32>
      %eq3A_127 = arith.constant 3 : i32
      %eq3A_128 = vector.broadcast %eq3A_127 : i32 to vector<16xi32>
      %eq3A_129 = arith.cmpi eq, %iota3A, %eq3A_128 : vector<16xi32>
      %eq3A_130 = arith.constant 4 : i32
      %eq3A_131 = vector.broadcast %eq3A_130 : i32 to vector<16xi32>
      %eq3A_132 = arith.cmpi eq, %iota3A, %eq3A_131 : vector<16xi32>
      %eq3A_133 = arith.constant 5 : i32
      %eq3A_134 = vector.broadcast %eq3A_133 : i32 to vector<16xi32>
      %eq3A_135 = arith.cmpi eq, %iota3A, %eq3A_134 : vector<16xi32>
      %eq3A_136 = arith.constant 6 : i32
      %eq3A_137 = vector.broadcast %eq3A_136 : i32 to vector<16xi32>
      %eq3A_138 = arith.cmpi eq, %iota3A, %eq3A_137 : vector<16xi32>
      %jit3A_139 = arith.constant 0.000000e+00 : f32
      %broadcast_in_dim3A_140 = vector.broadcast %jit3A_139 : f32 to vector<16xf32>
      %select_n3A_141 = arith.select %eq3A_138, %gather3A_117, %broadcast_in_dim3A_140 : vector<16xi1>, vector<16xf32>
      %select_n3A_142 = arith.select %eq3A_135, %gather3A_116, %select_n3A_141 : vector<16xi1>, vector<16xf32>
      %select_n3A_143 = arith.select %eq3A_132, %gather3A_115, %select_n3A_142 : vector<16xi1>, vector<16xf32>
      %select_n3A_144 = arith.select %eq3A_129, %gather3A_114, %select_n3A_143 : vector<16xi1>, vector<16xf32>
      %select_n3A_145 = arith.select %eq3A_126, %gather3A, %select_n3A_144 : vector<16xi1>, vector<16xf32>
      %broadcast_in_dim3A_146 = vector.broadcast %convert_element_type3A : f32 to vector<16xf32>
      %select_n3A_147 = arith.select %eq3A_123, %broadcast_in_dim3A_146, %select_n3A_145 : vector<16xi1>, vector<16xf32>
      %broadcast_in_dim3A_148 = vector.broadcast %reduce_max3A_98 : f32 to vector<16xf32>
      %select_n3A_149 = arith.select %eq3A_120, %broadcast_in_dim3A_148, %select_n3A_147 : vector<16xi1>, vector<16xf32>
      %swap3A = arith.constant 0 : index
      %swap3A_150 = tpu.vector_load %arg14[%swap3A] {strides = array<i32>} : memref<16xf32, #tpu.memory_space<vmem>>, vector<16xf32>,
      tpu.vector_store %arg14[%swap3A], %select_n3A_149 {strides = array<i32>} : memref<16xf32, #tpu.memory_space<vmem>>, vector<16xf32>,
      %mul3A_151 = arith.constant 16 : i32
      %mul3A_152 = arith.muli %arg1, %mul3A_151 : i32
      "tpu.region"() ({
        %run_scoped3A = tpu.sem_alloc : memref<!tpu.dma_semaphore, #tpu.memory_space<semaphore_mem>>
        %dma_start3A = tpu.memref_slice %arg17[%mul3A_152] : memref<256xf32, #tpu.memory_space<vmem_shared>> -> memref<16xf32, #tpu.memory_space<vmem_shared>>
        %dma_start3A_254 = tpu.memref_slice %arg17[%mul3A_152] : memref<256xf32, #tpu.memory_space<vmem_shared>> -> memref<16xf32, #tpu.memory_space<vmem_shared>>
        tpu.enqueue_dma source(%arg14 : memref<16xf32, #tpu.memory_space<vmem>>) target(%dma_start3A_254 : memref<16xf32, #tpu.memory_space<vmem_shared>>) target_semaphore(%run_scoped3A : memref<!tpu.dma_semaphore, #tpu.memory_space<semaphore_mem>>)
        %dma_wait3A = tpu.memref_slice %arg17[%mul3A_152] : memref<256xf32, #tpu.memory_space<vmem_shared>> -> memref<16xf32, #tpu.memory_space<vmem_shared>>
        %dma_wait3A_255 = tpu.memref_slice %arg17[%mul3A_152] : memref<256xf32, #tpu.memory_space<vmem_shared>> -> memref<16xf32, #tpu.memory_space<vmem_shared>>
        tpu.wait_dma2 semaphore(%run_scoped3A : memref<!tpu.dma_semaphore, #tpu.memory_space<semaphore_mem>>) src(%arg14 : memref<16xf32, #tpu.memory_space<vmem>>) dst(%dma_wait3A_255 : memref<16xf32, #tpu.memory_space<vmem_shared>>)
        tpu.yield
      }) : () -> ()
      %barrier3A = arith.constant 0 : index
      tpu.barrier barrier_id(%barrier3A)
      "tpu.region"() ({
        %run_scoped3A = tpu.sem_alloc : memref<!tpu.dma_semaphore, #tpu.memory_space<semaphore_mem>>
        tpu.enqueue_dma source(%arg17 : memref<256xf32, #tpu.memory_space<vmem_shared>>) target(%arg15 : memref<256xf32, #tpu.memory_space<vmem>>) target_semaphore(%run_scoped3A : memref<!tpu.dma_semaphore, #tpu.memory_space<semaphore_mem>>)
        tpu.wait_dma2 semaphore(%run_scoped3A : memref<!tpu.dma_semaphore, #tpu.memory_space<semaphore_mem>>) src(%arg17 : memref<256xf32, #tpu.memory_space<vmem_shared>>) dst(%arg15 : memref<256xf32, #tpu.memory_space<vmem>>)
        tpu.yield
      }) : () -> ()
      %barrier3A_153 = arith.constant 0 : index
      tpu.barrier barrier_id(%barrier3A_153)
      %mul3A_154 = arith.constant 16 : i32
      %mul3A_155 = vector.broadcast %mul3A_154 : i32 to vector<16xi32>
      %mul3A_156 = arith.muli %iota3A, %mul3A_155 : vector<16xi32>
      %gather3A_157 = tpu.vector_load_idx %arg15[%mul3A_156] : memref<256xf32, #tpu.memory_space<vmem>>[vector<16xi32>], vector<16xf32>,
      %reduce_max3A_158 = arith.constant true
      %reduce_max3A_159 = vector.broadcast %reduce_max3A_158 : i1 to vector<16xi1>
      %reduce_max3A_160 = tpu.scan <max>, %gather3A_157 masked %reduce_max3A_159 : vector<16xf32>, vector<16xi1> -> vector<16xf32>
      %reduce_max3A_161 = vector.extract %reduce_max3A_160[15] : f32 from vector<16xf32>
      %eq3A_162 = vector.broadcast %reduce_max3A_161 : f32 to vector<16xf32>
      %eq3A_163 = arith.cmpf oeq, %gather3A_157, %eq3A_162 : vector<16xf32>
      %jit3A_164 = arith.constant 1073741824 : i32
      %broadcast_in_dim3A_165 = vector.broadcast %jit3A_164 : i32 to vector<16xi32>
      %select_n3A_166 = arith.select %eq3A_163, %iota3A, %broadcast_in_dim3A_165 : vector<16xi1>, vector<16xi32>
      %reduce_min3A_167 = arith.constant true
      %reduce_min3A_168 = vector.broadcast %reduce_min3A_167 : i1 to vector<16xi1>
      %reduce_min3A_169 = arith.constant -2147483648 : i32
      %reduce_min3A_170 = vector.broadcast %reduce_min3A_169 : i32 to vector<16xi32>
      %reduce_min3A_171 = arith.xori %select_n3A_166, %reduce_min3A_170 : vector<16xi32>
      %reduce_min3A_172 = tpu.scan <min>, %reduce_min3A_171 masked %reduce_min3A_168 : vector<16xi32>, vector<16xi1> -> vector<16xi32>
      %reduce_min3A_173 = arith.xori %reduce_min3A_172, %reduce_min3A_170 : vector<16xi32>
      %reduce_min3A_174 = vector.extract %reduce_min3A_173[15] : i32 from vector<16xi32>
      %gt3A_175 = arith.constant -5.000000e+29 : f32
      %gt3A_176 = arith.cmpf ogt, %reduce_max3A_161, %gt3A_175 : f32
      %mul3A_177 = arith.constant 16 : i32
      %mul3A_178 = arith.muli %reduce_min3A_174, %mul3A_177 : i32
      %add3A_179 = vector.broadcast %mul3A_178 : i32 to vector<16xi32>
      %add3A_180 = arith.addi %add3A_179, %iota3A : vector<16xi32>
      %gather3A_181 = tpu.vector_load_idx %arg15[%add3A_180] : memref<256xf32, #tpu.memory_space<vmem>>[vector<16xi32>], vector<16xf32>,
      %eq3A_182 = arith.constant 1 : i32
      %eq3A_183 = vector.broadcast %eq3A_182 : i32 to vector<16xi32>
      %eq3A_184 = arith.cmpi eq, %iota3A, %eq3A_183 : vector<16xi32>
      %jit3A_185 = arith.constant 0.000000e+00 : f32
      %broadcast_in_dim3A_186 = vector.broadcast %jit3A_185 : f32 to vector<16xf32>
      %select_n3A_187 = arith.select %eq3A_184, %gather3A_181, %broadcast_in_dim3A_186 : vector<16xi1>, vector<16xf32>
      %reduce_sum3A = arith.constant true
      %reduce_sum3A_188 = vector.broadcast %reduce_sum3A : i1 to vector<16xi1>
      %reduce_sum3A_189 = tpu.scan <sum>, %select_n3A_187 masked %reduce_sum3A_188 : vector<16xf32>, vector<16xi1> -> vector<16xf32>
      %reduce_sum3A_190 = vector.extract %reduce_sum3A_189[15] : f32 from vector<16xf32>
      %convert_element_type3A_191 = arith.fptosi %reduce_sum3A_190 : f32 to i32
      %eq3A_192 = arith.constant 2 : i32
      %eq3A_193 = vector.broadcast %eq3A_192 : i32 to vector<16xi32>
      %eq3A_194 = arith.cmpi eq, %iota3A, %eq3A_193 : vector<16xi32>
      %jit3A_195 = arith.constant 0.000000e+00 : f32
      %broadcast_in_dim3A_196 = vector.broadcast %jit3A_195 : f32 to vector<16xf32>
      %select_n3A_197 = arith.select %eq3A_194, %gather3A_181, %broadcast_in_dim3A_196 : vector<16xi1>, vector<16xf32>
      %reduce_sum3A_198 = arith.constant true
      %reduce_sum3A_199 = vector.broadcast %reduce_sum3A_198 : i1 to vector<16xi1>
      %reduce_sum3A_200 = tpu.scan <sum>, %select_n3A_197 masked %reduce_sum3A_199 : vector<16xf32>, vector<16xi1> -> vector<16xf32>
      %reduce_sum3A_201 = vector.extract %reduce_sum3A_200[15] : f32 from vector<16xf32>
      %eq3A_202 = arith.constant 3 : i32
      %eq3A_203 = vector.broadcast %eq3A_202 : i32 to vector<16xi32>
      %eq3A_204 = arith.cmpi eq, %iota3A, %eq3A_203 : vector<16xi32>
      %jit3A_205 = arith.constant 0.000000e+00 : f32
      %broadcast_in_dim3A_206 = vector.broadcast %jit3A_205 : f32 to vector<16xf32>
      %select_n3A_207 = arith.select %eq3A_204, %gather3A_181, %broadcast_in_dim3A_206 : vector<16xi1>, vector<16xf32>
      %reduce_sum3A_208 = arith.constant true
      %reduce_sum3A_209 = vector.broadcast %reduce_sum3A_208 : i1 to vector<16xi1>
      %reduce_sum3A_210 = tpu.scan <sum>, %select_n3A_207 masked %reduce_sum3A_209 : vector<16xf32>, vector<16xi1> -> vector<16xf32>
      %reduce_sum3A_211 = vector.extract %reduce_sum3A_210[15] : f32 from vector<16xf32>
      %eq3A_212 = arith.constant 4 : i32
      %eq3A_213 = vector.broadcast %eq3A_212 : i32 to vector<16xi32>
      %eq3A_214 = arith.cmpi eq, %iota3A, %eq3A_213 : vector<16xi32>
      %jit3A_215 = arith.constant 0.000000e+00 : f32
      %broadcast_in_dim3A_216 = vector.broadcast %jit3A_215 : f32 to vector<16xf32>
      %select_n3A_217 = arith.select %eq3A_214, %gather3A_181, %broadcast_in_dim3A_216 : vector<16xi1>, vector<16xf32>
      %reduce_sum3A_218 = arith.constant true
      %reduce_sum3A_219 = vector.broadcast %reduce_sum3A_218 : i1 to vector<16xi1>
      %reduce_sum3A_220 = tpu.scan <sum>, %select_n3A_217 masked %reduce_sum3A_219 : vector<16xf32>, vector<16xi1> -> vector<16xf32>
      %reduce_sum3A_221 = vector.extract %reduce_sum3A_220[15] : f32 from vector<16xf32>
      %eq3A_222 = arith.constant 5 : i32
      %eq3A_223 = vector.broadcast %eq3A_222 : i32 to vector<16xi32>
      %eq3A_224 = arith.cmpi eq, %iota3A, %eq3A_223 : vector<16xi32>
      %jit3A_225 = arith.constant 0.000000e+00 : f32
      %broadcast_in_dim3A_226 = vector.broadcast %jit3A_225 : f32 to vector<16xf32>
      %select_n3A_227 = arith.select %eq3A_224, %gather3A_181, %broadcast_in_dim3A_226 : vector<16xi1>, vector<16xf32>
      %reduce_sum3A_228 = arith.constant true
      %reduce_sum3A_229 = vector.broadcast %reduce_sum3A_228 : i1 to vector<16xi1>
      %reduce_sum3A_230 = tpu.scan <sum>, %select_n3A_227 masked %reduce_sum3A_229 : vector<16xf32>, vector<16xi1> -> vector<16xf32>
      %reduce_sum3A_231 = vector.extract %reduce_sum3A_230[15] : f32 from vector<16xf32>
      %eq3A_232 = arith.constant 6 : i32
      %eq3A_233 = vector.broadcast %eq3A_232 : i32 to vector<16xi32>
      %eq3A_234 = arith.cmpi eq, %iota3A, %eq3A_233 : vector<16xi32>
      %jit3A_235 = arith.constant 0.000000e+00 : f32
      %broadcast_in_dim3A_236 = vector.broadcast %jit3A_235 : f32 to vector<16xf32>
      %select_n3A_237 = arith.select %eq3A_234, %gather3A_181, %broadcast_in_dim3A_236 : vector<16xi1>, vector<16xf32>
      %reduce_sum3A_238 = arith.constant true
      %reduce_sum3A_239 = vector.broadcast %reduce_sum3A_238 : i1 to vector<16xi1>
      %reduce_sum3A_240 = tpu.scan <sum>, %select_n3A_237 masked %reduce_sum3A_239 : vector<16xf32>, vector<16xi1> -> vector<16xf32>
      %reduce_sum3A_241 = vector.extract %reduce_sum3A_240[15] : f32 from vector<16xf32>
      %scan3A_242 = arith.constant 0 : i32
      %scan3A_243 = arith.constant 0 : i32
      %scan3A_244 = arith.constant 10 : i32
      %scan3A_245 = arith.addi %scan3A_243, %scan3A_244 : i32
      %scan3A_246 = arith.constant 1 : i32
      %scan3A_247 = scf.for %scan3A_254 = %scan3A_243 to %scan3A_245 step %scan3A_246 iter_args(%scan3A_255 = %scan3A_242) -> (i32)  : i32 {
        %mul3A_256 = arith.constant 8 : i32
        %mul3A_257 = arith.muli %scan3A_254, %mul3A_256 : i32
        %add3A_258 = arith.constant 0 : i32
        %add3A_259 = arith.addi %mul3A_257, %add3A_258 : i32
        %mul3A_260 = arith.constant 16 : i32
        %mul3A_261 = arith.muli %add3A_259, %mul3A_260 : i32
        %get3A = arith.index_cast %mul3A_261 : i32 to index
        %get3A_262 = tpu.vector_load %arg13[%get3A] {strides = array<i32>} : memref<1280xf32, #tpu.memory_space<vmem>>, vector<16xf32>,
        %get3A_263 = arith.index_cast %mul3A_261 : i32 to index
        %get3A_264 = tpu.vector_load %arg10[%get3A_263] {strides = array<i32>} : memref<1280xf32, #tpu.memory_space<vmem>>, vector<16xf32>,
        %min3A = vector.broadcast %reduce_sum3A_221 : f32 to vector<16xf32>
        %min3A_265 = arith.minimumf %get3A_264, %min3A : vector<16xf32>
        %get3A_266 = arith.index_cast %mul3A_261 : i32 to index
        %get3A_267 = tpu.vector_load %arg8[%get3A_266] {strides = array<i32>} : memref<1280xf32, #tpu.memory_space<vmem>>, vector<16xf32>,
        %max3A = vector.broadcast %reduce_sum3A_201 : f32 to vector<16xf32>
        %max3A_268 = arith.maximumf %get3A_267, %max3A : vector<16xf32>
        %sub3A = arith.subf %min3A_265, %max3A_268 : vector<16xf32>
        %max3A_269 = arith.constant 0.000000e+00 : f32
        %max3A_270 = vector.broadcast %max3A_269 : f32 to vector<16xf32>
        %max3A_271 = arith.maximumf %sub3A, %max3A_270 : vector<16xf32>
        %get3A_272 = arith.index_cast %mul3A_261 : i32 to index
        %get3A_273 = tpu.vector_load %arg11[%get3A_272] {strides = array<i32>} : memref<1280xf32, #tpu.memory_space<vmem>>, vector<16xf32>,
        %min3A_274 = vector.broadcast %reduce_sum3A_231 : f32 to vector<16xf32>
        %min3A_275 = arith.minimumf %get3A_273, %min3A_274 : vector<16xf32>
        %get3A_276 = arith.index_cast %mul3A_261 : i32 to index
        %get3A_277 = tpu.vector_load %arg9[%get3A_276] {strides = array<i32>} : memref<1280xf32, #tpu.memory_space<vmem>>, vector<16xf32>,
        %max3A_278 = vector.broadcast %reduce_sum3A_211 : f32 to vector<16xf32>
        %max3A_279 = arith.maximumf %get3A_277, %max3A_278 : vector<16xf32>
        %sub3A_280 = arith.subf %min3A_275, %max3A_279 : vector<16xf32>
        %max3A_281 = arith.constant 0.000000e+00 : f32
        %max3A_282 = vector.broadcast %max3A_281 : f32 to vector<16xf32>
        %max3A_283 = arith.maximumf %sub3A_280, %max3A_282 : vector<16xf32>
        %mul3A_284 = arith.mulf %max3A_271, %max3A_283 : vector<16xf32>
        %get3A_285 = arith.index_cast %mul3A_261 : i32 to index
        %get3A_286 = tpu.vector_load %arg12[%get3A_285] {strides = array<i32>} : memref<1280xf32, #tpu.memory_space<vmem>>, vector<16xf32>,
        %add3A_287 = vector.broadcast %reduce_sum3A_241 : f32 to vector<16xf32>
        %add3A_288 = arith.addf %get3A_286, %add3A_287 : vector<16xf32>
        %sub3A_289 = arith.subf %add3A_288, %mul3A_284 : vector<16xf32>
        %add3A_290 = arith.constant 9.99999993E-9 : f32
        %add3A_291 = vector.broadcast %add3A_290 : f32 to vector<16xf32>
        %add3A_292 = arith.addf %sub3A_289, %add3A_291 : vector<16xf32>
        %div3A = arith.divf %mul3A_284, %add3A_292 : vector<16xf32>
        %mul3A_293 = arith.constant 16 : i32
        %mul3A_294 = arith.muli %add3A_259, %mul3A_293 : i32
        %add3A_295 = arith.addi %mul3A_0, %mul3A_294 : i32
        %add3A_296 = vector.broadcast %add3A_295 : i32 to vector<16xi32>
        %add3A_297 = arith.addi %add3A_296, %iota3A : vector<16xi32>
        %gt3A_298 = arith.constant 5.000000e-01 : f32
        %gt3A_299 = vector.broadcast %gt3A_298 : f32 to vector<16xf32>
        %gt3A_300 = arith.cmpf ogt, %div3A, %gt3A_299 : vector<16xf32>
        %eq3A_301 = vector.broadcast %convert_element_type3A_191 : i32 to vector<16xi32>
        %eq3A_302 = arith.cmpi eq, %add3A_297, %eq3A_301 : vector<16xi32>
        %or3A_303 = arith.ori %gt3A_300, %eq3A_302 : vector<16xi1>
        %jit3A_304 = arith.constant -1.000000e+30 : f32
        %broadcast_in_dim3A_305 = vector.broadcast %jit3A_304 : f32 to vector<16xf32>
        %select_n3A_306 = arith.select %or3A_303, %broadcast_in_dim3A_305, %get3A_262 : vector<16xi1>, vector<16xf32>
        %swap3A_307 = arith.index_cast %mul3A_261 : i32 to index
        %swap3A_308 = tpu.vector_load %arg13[%swap3A_307] {strides = array<i32>} : memref<1280xf32, #tpu.memory_space<vmem>>, vector<16xf32>,
        tpu.vector_store %arg13[%swap3A_307], %select_n3A_306 {strides = array<i32>} : memref<1280xf32, #tpu.memory_space<vmem>>, vector<16xf32>,
        %mul3A_309 = arith.constant 8 : i32
        %mul3A_310 = arith.muli %scan3A_254, %mul3A_309 : i32
        %add3A_311 = arith.constant 1 : i32
        %add3A_312 = arith.addi %mul3A_310, %add3A_311 : i32
        %mul3A_313 = arith.constant 16 : i32
        %mul3A_314 = arith.muli %add3A_312, %mul3A_313 : i32
        %get3A_315 = arith.index_cast %mul3A_314 : i32 to index
        %get3A_316 = tpu.vector_load %arg13[%get3A_315] {strides = array<i32>} : memref<1280xf32, #tpu.memory_space<vmem>>, vector<16xf32>,
        %get3A_317 = arith.index_cast %mul3A_314 : i32 to index
        %get3A_318 = tpu.vector_load %arg10[%get3A_317] {strides = array<i32>} : memref<1280xf32, #tpu.memory_space<vmem>>, vector<16xf32>,
        %min3A_319 = vector.broadcast %reduce_sum3A_221 : f32 to vector<16xf32>
        %min3A_320 = arith.minimumf %get3A_318, %min3A_319 : vector<16xf32>
        %get3A_321 = arith.index_cast %mul3A_314 : i32 to index
        %get3A_322 = tpu.vector_load %arg8[%get3A_321] {strides = array<i32>} : memref<1280xf32, #tpu.memory_space<vmem>>, vector<16xf32>,
        %max3A_323 = vector.broadcast %reduce_sum3A_201 : f32 to vector<16xf32>
        %max3A_324 = arith.maximumf %get3A_322, %max3A_323 : vector<16xf32>
        %sub3A_325 = arith.subf %min3A_320, %max3A_324 : vector<16xf32>
        %max3A_326 = arith.constant 0.000000e+00 : f32
        %max3A_327 = vector.broadcast %max3A_326 : f32 to vector<16xf32>
        %max3A_328 = arith.maximumf %sub3A_325, %max3A_327 : vector<16xf32>
        %get3A_329 = arith.index_cast %mul3A_314 : i32 to index
        %get3A_330 = tpu.vector_load %arg11[%get3A_329] {strides = array<i32>} : memref<1280xf32, #tpu.memory_space<vmem>>, vector<16xf32>,
        %min3A_331 = vector.broadcast %reduce_sum3A_231 : f32 to vector<16xf32>
        %min3A_332 = arith.minimumf %get3A_330, %min3A_331 : vector<16xf32>
        %get3A_333 = arith.index_cast %mul3A_314 : i32 to index
        %get3A_334 = tpu.vector_load %arg9[%get3A_333] {strides = array<i32>} : memref<1280xf32, #tpu.memory_space<vmem>>, vector<16xf32>,
        %max3A_335 = vector.broadcast %reduce_sum3A_211 : f32 to vector<16xf32>
        %max3A_336 = arith.maximumf %get3A_334, %max3A_335 : vector<16xf32>
        %sub3A_337 = arith.subf %min3A_332, %max3A_336 : vector<16xf32>
        %max3A_338 = arith.constant 0.000000e+00 : f32
        %max3A_339 = vector.broadcast %max3A_338 : f32 to vector<16xf32>
        %max3A_340 = arith.maximumf %sub3A_337, %max3A_339 : vector<16xf32>
        %mul3A_341 = arith.mulf %max3A_328, %max3A_340 : vector<16xf32>
        %get3A_342 = arith.index_cast %mul3A_314 : i32 to index
        %get3A_343 = tpu.vector_load %arg12[%get3A_342] {strides = array<i32>} : memref<1280xf32, #tpu.memory_space<vmem>>, vector<16xf32>,
        %add3A_344 = vector.broadcast %reduce_sum3A_241 : f32 to vector<16xf32>
        %add3A_345 = arith.addf %get3A_343, %add3A_344 : vector<16xf32>
        %sub3A_346 = arith.subf %add3A_345, %mul3A_341 : vector<16xf32>
        %add3A_347 = arith.constant 9.99999993E-9 : f32
        %add3A_348 = vector.broadcast %add3A_347 : f32 to vector<16xf32>
        %add3A_349 = arith.addf %sub3A_346, %add3A_348 : vector<16xf32>
        %div3A_350 = arith.divf %mul3A_341, %add3A_349 : vector<16xf32>
        %mul3A_351 = arith.constant 16 : i32
        %mul3A_352 = arith.muli %add3A_312, %mul3A_351 : i32
        %add3A_353 = arith.addi %mul3A_0, %mul3A_352 : i32
        %add3A_354 = vector.broadcast %add3A_353 : i32 to vector<16xi32>
        %add3A_355 = arith.addi %add3A_354, %iota3A : vector<16xi32>
        %gt3A_356 = arith.constant 5.000000e-01 : f32
        %gt3A_357 = vector.broadcast %gt3A_356 : f32 to vector<16xf32>
        %gt3A_358 = arith.cmpf ogt, %div3A_350, %gt3A_357 : vector<16xf32>
        %eq3A_359 = vector.broadcast %convert_element_type3A_191 : i32 to vector<16xi32>
        %eq3A_360 = arith.cmpi eq, %add3A_355, %eq3A_359 : vector<16xi32>
        %or3A_361 = arith.ori %gt3A_358, %eq3A_360 : vector<16xi1>
        %jit3A_362 = arith.constant -1.000000e+30 : f32
        %broadcast_in_dim3A_363 = vector.broadcast %jit3A_362 : f32 to vector<16xf32>
        %select_n3A_364 = arith.select %or3A_361, %broadcast_in_dim3A_363, %get3A_316 : vector<16xi1>, vector<16xf32>
        %swap3A_365 = arith.index_cast %mul3A_314 : i32 to index
        %swap3A_366 = tpu.vector_load %arg13[%swap3A_365] {strides = array<i32>} : memref<1280xf32, #tpu.memory_space<vmem>>, vector<16xf32>,
        tpu.vector_store %arg13[%swap3A_365], %select_n3A_364 {strides = array<i32>} : memref<1280xf32, #tpu.memory_space<vmem>>, vector<16xf32>,
        %mul3A_367 = arith.constant 8 : i32
        %mul3A_368 = arith.muli %scan3A_254, %mul3A_367 : i32
        %add3A_369 = arith.constant 2 : i32
        %add3A_370 = arith.addi %mul3A_368, %add3A_369 : i32
        %mul3A_371 = arith.constant 16 : i32
        %mul3A_372 = arith.muli %add3A_370, %mul3A_371 : i32
        %get3A_373 = arith.index_cast %mul3A_372 : i32 to index
        %get3A_374 = tpu.vector_load %arg13[%get3A_373] {strides = array<i32>} : memref<1280xf32, #tpu.memory_space<vmem>>, vector<16xf32>,
        %get3A_375 = arith.index_cast %mul3A_372 : i32 to index
        %get3A_376 = tpu.vector_load %arg10[%get3A_375] {strides = array<i32>} : memref<1280xf32, #tpu.memory_space<vmem>>, vector<16xf32>,
        %min3A_377 = vector.broadcast %reduce_sum3A_221 : f32 to vector<16xf32>
        %min3A_378 = arith.minimumf %get3A_376, %min3A_377 : vector<16xf32>
        %get3A_379 = arith.index_cast %mul3A_372 : i32 to index
        %get3A_380 = tpu.vector_load %arg8[%get3A_379] {strides = array<i32>} : memref<1280xf32, #tpu.memory_space<vmem>>, vector<16xf32>,
        %max3A_381 = vector.broadcast %reduce_sum3A_201 : f32 to vector<16xf32>
        %max3A_382 = arith.maximumf %get3A_380, %max3A_381 : vector<16xf32>
        %sub3A_383 = arith.subf %min3A_378, %max3A_382 : vector<16xf32>
        %max3A_384 = arith.constant 0.000000e+00 : f32
        %max3A_385 = vector.broadcast %max3A_384 : f32 to vector<16xf32>
        %max3A_386 = arith.maximumf %sub3A_383, %max3A_385 : vector<16xf32>
        %get3A_387 = arith.index_cast %mul3A_372 : i32 to index
        %get3A_388 = tpu.vector_load %arg11[%get3A_387] {strides = array<i32>} : memref<1280xf32, #tpu.memory_space<vmem>>, vector<16xf32>,
        %min3A_389 = vector.broadcast %reduce_sum3A_231 : f32 to vector<16xf32>
        %min3A_390 = arith.minimumf %get3A_388, %min3A_389 : vector<16xf32>
        %get3A_391 = arith.index_cast %mul3A_372 : i32 to index
        %get3A_392 = tpu.vector_load %arg9[%get3A_391] {strides = array<i32>} : memref<1280xf32, #tpu.memory_space<vmem>>, vector<16xf32>,
        %max3A_393 = vector.broadcast %reduce_sum3A_211 : f32 to vector<16xf32>
        %max3A_394 = arith.maximumf %get3A_392, %max3A_393 : vector<16xf32>
        %sub3A_395 = arith.subf %min3A_390, %max3A_394 : vector<16xf32>
        %max3A_396 = arith.constant 0.000000e+00 : f32
        %max3A_397 = vector.broadcast %max3A_396 : f32 to vector<16xf32>
        %max3A_398 = arith.maximumf %sub3A_395, %max3A_397 : vector<16xf32>
        %mul3A_399 = arith.mulf %max3A_386, %max3A_398 : vector<16xf32>
        %get3A_400 = arith.index_cast %mul3A_372 : i32 to index
        %get3A_401 = tpu.vector_load %arg12[%get3A_400] {strides = array<i32>} : memref<1280xf32, #tpu.memory_space<vmem>>, vector<16xf32>,
        %add3A_402 = vector.broadcast %reduce_sum3A_241 : f32 to vector<16xf32>
        %add3A_403 = arith.addf %get3A_401, %add3A_402 : vector<16xf32>
        %sub3A_404 = arith.subf %add3A_403, %mul3A_399 : vector<16xf32>
        %add3A_405 = arith.constant 9.99999993E-9 : f32
        %add3A_406 = vector.broadcast %add3A_405 : f32 to vector<16xf32>
        %add3A_407 = arith.addf %sub3A_404, %add3A_406 : vector<16xf32>
        %div3A_408 = arith.divf %mul3A_399, %add3A_407 : vector<16xf32>
        %mul3A_409 = arith.constant 16 : i32
        %mul3A_410 = arith.muli %add3A_370, %mul3A_409 : i32
        %add3A_411 = arith.addi %mul3A_0, %mul3A_410 : i32
        %add3A_412 = vector.broadcast %add3A_411 : i32 to vector<16xi32>
        %add3A_413 = arith.addi %add3A_412, %iota3A : vector<16xi32>
        %gt3A_414 = arith.constant 5.000000e-01 : f32
        %gt3A_415 = vector.broadcast %gt3A_414 : f32 to vector<16xf32>
        %gt3A_416 = arith.cmpf ogt, %div3A_408, %gt3A_415 : vector<16xf32>
        %eq3A_417 = vector.broadcast %convert_element_type3A_191 : i32 to vector<16xi32>
        %eq3A_418 = arith.cmpi eq, %add3A_413, %eq3A_417 : vector<16xi32>
        %or3A_419 = arith.ori %gt3A_416, %eq3A_418 : vector<16xi1>
        %jit3A_420 = arith.constant -1.000000e+30 : f32
        %broadcast_in_dim3A_421 = vector.broadcast %jit3A_420 : f32 to vector<16xf32>
        %select_n3A_422 = arith.select %or3A_419, %broadcast_in_dim3A_421, %get3A_374 : vector<16xi1>, vector<16xf32>
        %swap3A_423 = arith.index_cast %mul3A_372 : i32 to index
        %swap3A_424 = tpu.vector_load %arg13[%swap3A_423] {strides = array<i32>} : memref<1280xf32, #tpu.memory_space<vmem>>, vector<16xf32>,
        tpu.vector_store %arg13[%swap3A_423], %select_n3A_422 {strides = array<i32>} : memref<1280xf32, #tpu.memory_space<vmem>>, vector<16xf32>,
        %mul3A_425 = arith.constant 8 : i32
        %mul3A_426 = arith.muli %scan3A_254, %mul3A_425 : i32
        %add3A_427 = arith.constant 3 : i32
        %add3A_428 = arith.addi %mul3A_426, %add3A_427 : i32
        %mul3A_429 = arith.constant 16 : i32
        %mul3A_430 = arith.muli %add3A_428, %mul3A_429 : i32
        %get3A_431 = arith.index_cast %mul3A_430 : i32 to index
        %get3A_432 = tpu.vector_load %arg13[%get3A_431] {strides = array<i32>} : memref<1280xf32, #tpu.memory_space<vmem>>, vector<16xf32>,
        %get3A_433 = arith.index_cast %mul3A_430 : i32 to index
        %get3A_434 = tpu.vector_load %arg10[%get3A_433] {strides = array<i32>} : memref<1280xf32, #tpu.memory_space<vmem>>, vector<16xf32>,
        %min3A_435 = vector.broadcast %reduce_sum3A_221 : f32 to vector<16xf32>
        %min3A_436 = arith.minimumf %get3A_434, %min3A_435 : vector<16xf32>
        %get3A_437 = arith.index_cast %mul3A_430 : i32 to index
        %get3A_438 = tpu.vector_load %arg8[%get3A_437] {strides = array<i32>} : memref<1280xf32, #tpu.memory_space<vmem>>, vector<16xf32>,
        %max3A_439 = vector.broadcast %reduce_sum3A_201 : f32 to vector<16xf32>
        %max3A_440 = arith.maximumf %get3A_438, %max3A_439 : vector<16xf32>
        %sub3A_441 = arith.subf %min3A_436, %max3A_440 : vector<16xf32>
        %max3A_442 = arith.constant 0.000000e+00 : f32
        %max3A_443 = vector.broadcast %max3A_442 : f32 to vector<16xf32>
        %max3A_444 = arith.maximumf %sub3A_441, %max3A_443 : vector<16xf32>
        %get3A_445 = arith.index_cast %mul3A_430 : i32 to index
        %get3A_446 = tpu.vector_load %arg11[%get3A_445] {strides = array<i32>} : memref<1280xf32, #tpu.memory_space<vmem>>, vector<16xf32>,
        %min3A_447 = vector.broadcast %reduce_sum3A_231 : f32 to vector<16xf32>
        %min3A_448 = arith.minimumf %get3A_446, %min3A_447 : vector<16xf32>
        %get3A_449 = arith.index_cast %mul3A_430 : i32 to index
        %get3A_450 = tpu.vector_load %arg9[%get3A_449] {strides = array<i32>} : memref<1280xf32, #tpu.memory_space<vmem>>, vector<16xf32>,
        %max3A_451 = vector.broadcast %reduce_sum3A_211 : f32 to vector<16xf32>
        %max3A_452 = arith.maximumf %get3A_450, %max3A_451 : vector<16xf32>
        %sub3A_453 = arith.subf %min3A_448, %max3A_452 : vector<16xf32>
        %max3A_454 = arith.constant 0.000000e+00 : f32
        %max3A_455 = vector.broadcast %max3A_454 : f32 to vector<16xf32>
        %max3A_456 = arith.maximumf %sub3A_453, %max3A_455 : vector<16xf32>
        %mul3A_457 = arith.mulf %max3A_444, %max3A_456 : vector<16xf32>
        %get3A_458 = arith.index_cast %mul3A_430 : i32 to index
        %get3A_459 = tpu.vector_load %arg12[%get3A_458] {strides = array<i32>} : memref<1280xf32, #tpu.memory_space<vmem>>, vector<16xf32>,
        %add3A_460 = vector.broadcast %reduce_sum3A_241 : f32 to vector<16xf32>
        %add3A_461 = arith.addf %get3A_459, %add3A_460 : vector<16xf32>
        %sub3A_462 = arith.subf %add3A_461, %mul3A_457 : vector<16xf32>
        %add3A_463 = arith.constant 9.99999993E-9 : f32
        %add3A_464 = vector.broadcast %add3A_463 : f32 to vector<16xf32>
        %add3A_465 = arith.addf %sub3A_462, %add3A_464 : vector<16xf32>
        %div3A_466 = arith.divf %mul3A_457, %add3A_465 : vector<16xf32>
        %mul3A_467 = arith.constant 16 : i32
        %mul3A_468 = arith.muli %add3A_428, %mul3A_467 : i32
        %add3A_469 = arith.addi %mul3A_0, %mul3A_468 : i32
        %add3A_470 = vector.broadcast %add3A_469 : i32 to vector<16xi32>
        %add3A_471 = arith.addi %add3A_470, %iota3A : vector<16xi32>
        %gt3A_472 = arith.constant 5.000000e-01 : f32
        %gt3A_473 = vector.broadcast %gt3A_472 : f32 to vector<16xf32>
        %gt3A_474 = arith.cmpf ogt, %div3A_466, %gt3A_473 : vector<16xf32>
        %eq3A_475 = vector.broadcast %convert_element_type3A_191 : i32 to vector<16xi32>
        %eq3A_476 = arith.cmpi eq, %add3A_471, %eq3A_475 : vector<16xi32>
        %or3A_477 = arith.ori %gt3A_474, %eq3A_476 : vector<16xi1>
        %jit3A_478 = arith.constant -1.000000e+30 : f32
        %broadcast_in_dim3A_479 = vector.broadcast %jit3A_478 : f32 to vector<16xf32>
        %select_n3A_480 = arith.select %or3A_477, %broadcast_in_dim3A_479, %get3A_432 : vector<16xi1>, vector<16xf32>
        %swap3A_481 = arith.index_cast %mul3A_430 : i32 to index
        %swap3A_482 = tpu.vector_load %arg13[%swap3A_481] {strides = array<i32>} : memref<1280xf32, #tpu.memory_space<vmem>>, vector<16xf32>,
        tpu.vector_store %arg13[%swap3A_481], %select_n3A_480 {strides = array<i32>} : memref<1280xf32, #tpu.memory_space<vmem>>, vector<16xf32>,
        %mul3A_483 = arith.constant 8 : i32
        %mul3A_484 = arith.muli %scan3A_254, %mul3A_483 : i32
        %add3A_485 = arith.constant 4 : i32
        %add3A_486 = arith.addi %mul3A_484, %add3A_485 : i32
        %mul3A_487 = arith.constant 16 : i32
        %mul3A_488 = arith.muli %add3A_486, %mul3A_487 : i32
        %get3A_489 = arith.index_cast %mul3A_488 : i32 to index
        %get3A_490 = tpu.vector_load %arg13[%get3A_489] {strides = array<i32>} : memref<1280xf32, #tpu.memory_space<vmem>>, vector<16xf32>,
        %get3A_491 = arith.index_cast %mul3A_488 : i32 to index
        %get3A_492 = tpu.vector_load %arg10[%get3A_491] {strides = array<i32>} : memref<1280xf32, #tpu.memory_space<vmem>>, vector<16xf32>,
        %min3A_493 = vector.broadcast %reduce_sum3A_221 : f32 to vector<16xf32>
        %min3A_494 = arith.minimumf %get3A_492, %min3A_493 : vector<16xf32>
        %get3A_495 = arith.index_cast %mul3A_488 : i32 to index
        %get3A_496 = tpu.vector_load %arg8[%get3A_495] {strides = array<i32>} : memref<1280xf32, #tpu.memory_space<vmem>>, vector<16xf32>,
        %max3A_497 = vector.broadcast %reduce_sum3A_201 : f32 to vector<16xf32>
        %max3A_498 = arith.maximumf %get3A_496, %max3A_497 : vector<16xf32>
        %sub3A_499 = arith.subf %min3A_494, %max3A_498 : vector<16xf32>
        %max3A_500 = arith.constant 0.000000e+00 : f32
        %max3A_501 = vector.broadcast %max3A_500 : f32 to vector<16xf32>
        %max3A_502 = arith.maximumf %sub3A_499, %max3A_501 : vector<16xf32>
        %get3A_503 = arith.index_cast %mul3A_488 : i32 to index
        %get3A_504 = tpu.vector_load %arg11[%get3A_503] {strides = array<i32>} : memref<1280xf32, #tpu.memory_space<vmem>>, vector<16xf32>,
        %min3A_505 = vector.broadcast %reduce_sum3A_231 : f32 to vector<16xf32>
        %min3A_506 = arith.minimumf %get3A_504, %min3A_505 : vector<16xf32>
        %get3A_507 = arith.index_cast %mul3A_488 : i32 to index
        %get3A_508 = tpu.vector_load %arg9[%get3A_507] {strides = array<i32>} : memref<1280xf32, #tpu.memory_space<vmem>>, vector<16xf32>,
        %max3A_509 = vector.broadcast %reduce_sum3A_211 : f32 to vector<16xf32>
        %max3A_510 = arith.maximumf %get3A_508, %max3A_509 : vector<16xf32>
        %sub3A_511 = arith.subf %min3A_506, %max3A_510 : vector<16xf32>
        %max3A_512 = arith.constant 0.000000e+00 : f32
        %max3A_513 = vector.broadcast %max3A_512 : f32 to vector<16xf32>
        %max3A_514 = arith.maximumf %sub3A_511, %max3A_513 : vector<16xf32>
        %mul3A_515 = arith.mulf %max3A_502, %max3A_514 : vector<16xf32>
        %get3A_516 = arith.index_cast %mul3A_488 : i32 to index
        %get3A_517 = tpu.vector_load %arg12[%get3A_516] {strides = array<i32>} : memref<1280xf32, #tpu.memory_space<vmem>>, vector<16xf32>,
        %add3A_518 = vector.broadcast %reduce_sum3A_241 : f32 to vector<16xf32>
        %add3A_519 = arith.addf %get3A_517, %add3A_518 : vector<16xf32>
        %sub3A_520 = arith.subf %add3A_519, %mul3A_515 : vector<16xf32>
        %add3A_521 = arith.constant 9.99999993E-9 : f32
        %add3A_522 = vector.broadcast %add3A_521 : f32 to vector<16xf32>
        %add3A_523 = arith.addf %sub3A_520, %add3A_522 : vector<16xf32>
        %div3A_524 = arith.divf %mul3A_515, %add3A_523 : vector<16xf32>
        %mul3A_525 = arith.constant 16 : i32
        %mul3A_526 = arith.muli %add3A_486, %mul3A_525 : i32
        %add3A_527 = arith.addi %mul3A_0, %mul3A_526 : i32
        %add3A_528 = vector.broadcast %add3A_527 : i32 to vector<16xi32>
        %add3A_529 = arith.addi %add3A_528, %iota3A : vector<16xi32>
        %gt3A_530 = arith.constant 5.000000e-01 : f32
        %gt3A_531 = vector.broadcast %gt3A_530 : f32 to vector<16xf32>
        %gt3A_532 = arith.cmpf ogt, %div3A_524, %gt3A_531 : vector<16xf32>
        %eq3A_533 = vector.broadcast %convert_element_type3A_191 : i32 to vector<16xi32>
        %eq3A_534 = arith.cmpi eq, %add3A_529, %eq3A_533 : vector<16xi32>
        %or3A_535 = arith.ori %gt3A_532, %eq3A_534 : vector<16xi1>
        %jit3A_536 = arith.constant -1.000000e+30 : f32
        %broadcast_in_dim3A_537 = vector.broadcast %jit3A_536 : f32 to vector<16xf32>
        %select_n3A_538 = arith.select %or3A_535, %broadcast_in_dim3A_537, %get3A_490 : vector<16xi1>, vector<16xf32>
        %swap3A_539 = arith.index_cast %mul3A_488 : i32 to index
        %swap3A_540 = tpu.vector_load %arg13[%swap3A_539] {strides = array<i32>} : memref<1280xf32, #tpu.memory_space<vmem>>, vector<16xf32>,
        tpu.vector_store %arg13[%swap3A_539], %select_n3A_538 {strides = array<i32>} : memref<1280xf32, #tpu.memory_space<vmem>>, vector<16xf32>,
        %mul3A_541 = arith.constant 8 : i32
        %mul3A_542 = arith.muli %scan3A_254, %mul3A_541 : i32
        %add3A_543 = arith.constant 5 : i32
        %add3A_544 = arith.addi %mul3A_542, %add3A_543 : i32
        %mul3A_545 = arith.constant 16 : i32
        %mul3A_546 = arith.muli %add3A_544, %mul3A_545 : i32
        %get3A_547 = arith.index_cast %mul3A_546 : i32 to index
        %get3A_548 = tpu.vector_load %arg13[%get3A_547] {strides = array<i32>} : memref<1280xf32, #tpu.memory_space<vmem>>, vector<16xf32>,
        %get3A_549 = arith.index_cast %mul3A_546 : i32 to index
        %get3A_550 = tpu.vector_load %arg10[%get3A_549] {strides = array<i32>} : memref<1280xf32, #tpu.memory_space<vmem>>, vector<16xf32>,
        %min3A_551 = vector.broadcast %reduce_sum3A_221 : f32 to vector<16xf32>
        %min3A_552 = arith.minimumf %get3A_550, %min3A_551 : vector<16xf32>
        %get3A_553 = arith.index_cast %mul3A_546 : i32 to index
        %get3A_554 = tpu.vector_load %arg8[%get3A_553] {strides = array<i32>} : memref<1280xf32, #tpu.memory_space<vmem>>, vector<16xf32>,
        %max3A_555 = vector.broadcast %reduce_sum3A_201 : f32 to vector<16xf32>
        %max3A_556 = arith.maximumf %get3A_554, %max3A_555 : vector<16xf32>
        %sub3A_557 = arith.subf %min3A_552, %max3A_556 : vector<16xf32>
        %max3A_558 = arith.constant 0.000000e+00 : f32
        %max3A_559 = vector.broadcast %max3A_558 : f32 to vector<16xf32>
        %max3A_560 = arith.maximumf %sub3A_557, %max3A_559 : vector<16xf32>
        %get3A_561 = arith.index_cast %mul3A_546 : i32 to index
        %get3A_562 = tpu.vector_load %arg11[%get3A_561] {strides = array<i32>} : memref<1280xf32, #tpu.memory_space<vmem>>, vector<16xf32>,
        %min3A_563 = vector.broadcast %reduce_sum3A_231 : f32 to vector<16xf32>
        %min3A_564 = arith.minimumf %get3A_562, %min3A_563 : vector<16xf32>
        %get3A_565 = arith.index_cast %mul3A_546 : i32 to index
        %get3A_566 = tpu.vector_load %arg9[%get3A_565] {strides = array<i32>} : memref<1280xf32, #tpu.memory_space<vmem>>, vector<16xf32>,
        %max3A_567 = vector.broadcast %reduce_sum3A_211 : f32 to vector<16xf32>
        %max3A_568 = arith.maximumf %get3A_566, %max3A_567 : vector<16xf32>
        %sub3A_569 = arith.subf %min3A_564, %max3A_568 : vector<16xf32>
        %max3A_570 = arith.constant 0.000000e+00 : f32
        %max3A_571 = vector.broadcast %max3A_570 : f32 to vector<16xf32>
        %max3A_572 = arith.maximumf %sub3A_569, %max3A_571 : vector<16xf32>
        %mul3A_573 = arith.mulf %max3A_560, %max3A_572 : vector<16xf32>
        %get3A_574 = arith.index_cast %mul3A_546 : i32 to index
        %get3A_575 = tpu.vector_load %arg12[%get3A_574] {strides = array<i32>} : memref<1280xf32, #tpu.memory_space<vmem>>, vector<16xf32>,
        %add3A_576 = vector.broadcast %reduce_sum3A_241 : f32 to vector<16xf32>
        %add3A_577 = arith.addf %get3A_575, %add3A_576 : vector<16xf32>
        %sub3A_578 = arith.subf %add3A_577, %mul3A_573 : vector<16xf32>
        %add3A_579 = arith.constant 9.99999993E-9 : f32
        %add3A_580 = vector.broadcast %add3A_579 : f32 to vector<16xf32>
        %add3A_581 = arith.addf %sub3A_578, %add3A_580 : vector<16xf32>
        %div3A_582 = arith.divf %mul3A_573, %add3A_581 : vector<16xf32>
        %mul3A_583 = arith.constant 16 : i32
        %mul3A_584 = arith.muli %add3A_544, %mul3A_583 : i32
        %add3A_585 = arith.addi %mul3A_0, %mul3A_584 : i32
        %add3A_586 = vector.broadcast %add3A_585 : i32 to vector<16xi32>
        %add3A_587 = arith.addi %add3A_586, %iota3A : vector<16xi32>
        %gt3A_588 = arith.constant 5.000000e-01 : f32
        %gt3A_589 = vector.broadcast %gt3A_588 : f32 to vector<16xf32>
        %gt3A_590 = arith.cmpf ogt, %div3A_582, %gt3A_589 : vector<16xf32>
        %eq3A_591 = vector.broadcast %convert_element_type3A_191 : i32 to vector<16xi32>
        %eq3A_592 = arith.cmpi eq, %add3A_587, %eq3A_591 : vector<16xi32>
        %or3A_593 = arith.ori %gt3A_590, %eq3A_592 : vector<16xi1>
        %jit3A_594 = arith.constant -1.000000e+30 : f32
        %broadcast_in_dim3A_595 = vector.broadcast %jit3A_594 : f32 to vector<16xf32>
        %select_n3A_596 = arith.select %or3A_593, %broadcast_in_dim3A_595, %get3A_548 : vector<16xi1>, vector<16xf32>
        %swap3A_597 = arith.index_cast %mul3A_546 : i32 to index
        %swap3A_598 = tpu.vector_load %arg13[%swap3A_597] {strides = array<i32>} : memref<1280xf32, #tpu.memory_space<vmem>>, vector<16xf32>,
        tpu.vector_store %arg13[%swap3A_597], %select_n3A_596 {strides = array<i32>} : memref<1280xf32, #tpu.memory_space<vmem>>, vector<16xf32>,
        %mul3A_599 = arith.constant 8 : i32
        %mul3A_600 = arith.muli %scan3A_254, %mul3A_599 : i32
        %add3A_601 = arith.constant 6 : i32
        %add3A_602 = arith.addi %mul3A_600, %add3A_601 : i32
        %mul3A_603 = arith.constant 16 : i32
        %mul3A_604 = arith.muli %add3A_602, %mul3A_603 : i32
        %get3A_605 = arith.index_cast %mul3A_604 : i32 to index
        %get3A_606 = tpu.vector_load %arg13[%get3A_605] {strides = array<i32>} : memref<1280xf32, #tpu.memory_space<vmem>>, vector<16xf32>,
        %get3A_607 = arith.index_cast %mul3A_604 : i32 to index
        %get3A_608 = tpu.vector_load %arg10[%get3A_607] {strides = array<i32>} : memref<1280xf32, #tpu.memory_space<vmem>>, vector<16xf32>,
        %min3A_609 = vector.broadcast %reduce_sum3A_221 : f32 to vector<16xf32>
        %min3A_610 = arith.minimumf %get3A_608, %min3A_609 : vector<16xf32>
        %get3A_611 = arith.index_cast %mul3A_604 : i32 to index
        %get3A_612 = tpu.vector_load %arg8[%get3A_611] {strides = array<i32>} : memref<1280xf32, #tpu.memory_space<vmem>>, vector<16xf32>,
        %max3A_613 = vector.broadcast %reduce_sum3A_201 : f32 to vector<16xf32>
        %max3A_614 = arith.maximumf %get3A_612, %max3A_613 : vector<16xf32>
        %sub3A_615 = arith.subf %min3A_610, %max3A_614 : vector<16xf32>
        %max3A_616 = arith.constant 0.000000e+00 : f32
        %max3A_617 = vector.broadcast %max3A_616 : f32 to vector<16xf32>
        %max3A_618 = arith.maximumf %sub3A_615, %max3A_617 : vector<16xf32>
        %get3A_619 = arith.index_cast %mul3A_604 : i32 to index
        %get3A_620 = tpu.vector_load %arg11[%get3A_619] {strides = array<i32>} : memref<1280xf32, #tpu.memory_space<vmem>>, vector<16xf32>,
        %min3A_621 = vector.broadcast %reduce_sum3A_231 : f32 to vector<16xf32>
        %min3A_622 = arith.minimumf %get3A_620, %min3A_621 : vector<16xf32>
        %get3A_623 = arith.index_cast %mul3A_604 : i32 to index
        %get3A_624 = tpu.vector_load %arg9[%get3A_623] {strides = array<i32>} : memref<1280xf32, #tpu.memory_space<vmem>>, vector<16xf32>,
        %max3A_625 = vector.broadcast %reduce_sum3A_211 : f32 to vector<16xf32>
        %max3A_626 = arith.maximumf %get3A_624, %max3A_625 : vector<16xf32>
        %sub3A_627 = arith.subf %min3A_622, %max3A_626 : vector<16xf32>
        %max3A_628 = arith.constant 0.000000e+00 : f32
        %max3A_629 = vector.broadcast %max3A_628 : f32 to vector<16xf32>
        %max3A_630 = arith.maximumf %sub3A_627, %max3A_629 : vector<16xf32>
        %mul3A_631 = arith.mulf %max3A_618, %max3A_630 : vector<16xf32>
        %get3A_632 = arith.index_cast %mul3A_604 : i32 to index
        %get3A_633 = tpu.vector_load %arg12[%get3A_632] {strides = array<i32>} : memref<1280xf32, #tpu.memory_space<vmem>>, vector<16xf32>,
        %add3A_634 = vector.broadcast %reduce_sum3A_241 : f32 to vector<16xf32>
        %add3A_635 = arith.addf %get3A_633, %add3A_634 : vector<16xf32>
        %sub3A_636 = arith.subf %add3A_635, %mul3A_631 : vector<16xf32>
        %add3A_637 = arith.constant 9.99999993E-9 : f32
        %add3A_638 = vector.broadcast %add3A_637 : f32 to vector<16xf32>
        %add3A_639 = arith.addf %sub3A_636, %add3A_638 : vector<16xf32>
        %div3A_640 = arith.divf %mul3A_631, %add3A_639 : vector<16xf32>
        %mul3A_641 = arith.constant 16 : i32
        %mul3A_642 = arith.muli %add3A_602, %mul3A_641 : i32
        %add3A_643 = arith.addi %mul3A_0, %mul3A_642 : i32
        %add3A_644 = vector.broadcast %add3A_643 : i32 to vector<16xi32>
        %add3A_645 = arith.addi %add3A_644, %iota3A : vector<16xi32>
        %gt3A_646 = arith.constant 5.000000e-01 : f32
        %gt3A_647 = vector.broadcast %gt3A_646 : f32 to vector<16xf32>
        %gt3A_648 = arith.cmpf ogt, %div3A_640, %gt3A_647 : vector<16xf32>
        %eq3A_649 = vector.broadcast %convert_element_type3A_191 : i32 to vector<16xi32>
        %eq3A_650 = arith.cmpi eq, %add3A_645, %eq3A_649 : vector<16xi32>
        %or3A_651 = arith.ori %gt3A_648, %eq3A_650 : vector<16xi1>
        %jit3A_652 = arith.constant -1.000000e+30 : f32
        %broadcast_in_dim3A_653 = vector.broadcast %jit3A_652 : f32 to vector<16xf32>
        %select_n3A_654 = arith.select %or3A_651, %broadcast_in_dim3A_653, %get3A_606 : vector<16xi1>, vector<16xf32>
        %swap3A_655 = arith.index_cast %mul3A_604 : i32 to index
        %swap3A_656 = tpu.vector_load %arg13[%swap3A_655] {strides = array<i32>} : memref<1280xf32, #tpu.memory_space<vmem>>, vector<16xf32>,
        tpu.vector_store %arg13[%swap3A_655], %select_n3A_654 {strides = array<i32>} : memref<1280xf32, #tpu.memory_space<vmem>>, vector<16xf32>,
        %mul3A_657 = arith.constant 8 : i32
        %mul3A_658 = arith.muli %scan3A_254, %mul3A_657 : i32
        %add3A_659 = arith.constant 7 : i32
        %add3A_660 = arith.addi %mul3A_658, %add3A_659 : i32
        %mul3A_661 = arith.constant 16 : i32
        %mul3A_662 = arith.muli %add3A_660, %mul3A_661 : i32
        %get3A_663 = arith.index_cast %mul3A_662 : i32 to index
        %get3A_664 = tpu.vector_load %arg13[%get3A_663] {strides = array<i32>} : memref<1280xf32, #tpu.memory_space<vmem>>, vector<16xf32>,
        %get3A_665 = arith.index_cast %mul3A_662 : i32 to index
        %get3A_666 = tpu.vector_load %arg10[%get3A_665] {strides = array<i32>} : memref<1280xf32, #tpu.memory_space<vmem>>, vector<16xf32>,
        %min3A_667 = vector.broadcast %reduce_sum3A_221 : f32 to vector<16xf32>
        %min3A_668 = arith.minimumf %get3A_666, %min3A_667 : vector<16xf32>
        %get3A_669 = arith.index_cast %mul3A_662 : i32 to index
        %get3A_670 = tpu.vector_load %arg8[%get3A_669] {strides = array<i32>} : memref<1280xf32, #tpu.memory_space<vmem>>, vector<16xf32>,
        %max3A_671 = vector.broadcast %reduce_sum3A_201 : f32 to vector<16xf32>
        %max3A_672 = arith.maximumf %get3A_670, %max3A_671 : vector<16xf32>
        %sub3A_673 = arith.subf %min3A_668, %max3A_672 : vector<16xf32>
        %max3A_674 = arith.constant 0.000000e+00 : f32
        %max3A_675 = vector.broadcast %max3A_674 : f32 to vector<16xf32>
        %max3A_676 = arith.maximumf %sub3A_673, %max3A_675 : vector<16xf32>
        %get3A_677 = arith.index_cast %mul3A_662 : i32 to index
        %get3A_678 = tpu.vector_load %arg11[%get3A_677] {strides = array<i32>} : memref<1280xf32, #tpu.memory_space<vmem>>, vector<16xf32>,
        %min3A_679 = vector.broadcast %reduce_sum3A_231 : f32 to vector<16xf32>
        %min3A_680 = arith.minimumf %get3A_678, %min3A_679 : vector<16xf32>
        %get3A_681 = arith.index_cast %mul3A_662 : i32 to index
        %get3A_682 = tpu.vector_load %arg9[%get3A_681] {strides = array<i32>} : memref<1280xf32, #tpu.memory_space<vmem>>, vector<16xf32>,
        %max3A_683 = vector.broadcast %reduce_sum3A_211 : f32 to vector<16xf32>
        %max3A_684 = arith.maximumf %get3A_682, %max3A_683 : vector<16xf32>
        %sub3A_685 = arith.subf %min3A_680, %max3A_684 : vector<16xf32>
        %max3A_686 = arith.constant 0.000000e+00 : f32
        %max3A_687 = vector.broadcast %max3A_686 : f32 to vector<16xf32>
        %max3A_688 = arith.maximumf %sub3A_685, %max3A_687 : vector<16xf32>
        %mul3A_689 = arith.mulf %max3A_676, %max3A_688 : vector<16xf32>
        %get3A_690 = arith.index_cast %mul3A_662 : i32 to index
        %get3A_691 = tpu.vector_load %arg12[%get3A_690] {strides = array<i32>} : memref<1280xf32, #tpu.memory_space<vmem>>, vector<16xf32>,
        %add3A_692 = vector.broadcast %reduce_sum3A_241 : f32 to vector<16xf32>
        %add3A_693 = arith.addf %get3A_691, %add3A_692 : vector<16xf32>
        %sub3A_694 = arith.subf %add3A_693, %mul3A_689 : vector<16xf32>
        %add3A_695 = arith.constant 9.99999993E-9 : f32
        %add3A_696 = vector.broadcast %add3A_695 : f32 to vector<16xf32>
        %add3A_697 = arith.addf %sub3A_694, %add3A_696 : vector<16xf32>
        %div3A_698 = arith.divf %mul3A_689, %add3A_697 : vector<16xf32>
        %mul3A_699 = arith.constant 16 : i32
        %mul3A_700 = arith.muli %add3A_660, %mul3A_699 : i32
        %add3A_701 = arith.addi %mul3A_0, %mul3A_700 : i32
        %add3A_702 = vector.broadcast %add3A_701 : i32 to vector<16xi32>
        %add3A_703 = arith.addi %add3A_702, %iota3A : vector<16xi32>
        %gt3A_704 = arith.constant 5.000000e-01 : f32
        %gt3A_705 = vector.broadcast %gt3A_704 : f32 to vector<16xf32>
        %gt3A_706 = arith.cmpf ogt, %div3A_698, %gt3A_705 : vector<16xf32>
        %eq3A_707 = vector.broadcast %convert_element_type3A_191 : i32 to vector<16xi32>
        %eq3A_708 = arith.cmpi eq, %add3A_703, %eq3A_707 : vector<16xi32>
        %or3A_709 = arith.ori %gt3A_706, %eq3A_708 : vector<16xi1>
        %jit3A_710 = arith.constant -1.000000e+30 : f32
        %broadcast_in_dim3A_711 = vector.broadcast %jit3A_710 : f32 to vector<16xf32>
        %select_n3A_712 = arith.select %or3A_709, %broadcast_in_dim3A_711, %get3A_664 : vector<16xi1>, vector<16xf32>
        %swap3A_713 = arith.index_cast %mul3A_662 : i32 to index
        %swap3A_714 = tpu.vector_load %arg13[%swap3A_713] {strides = array<i32>} : memref<1280xf32, #tpu.memory_space<vmem>>, vector<16xf32>,
        tpu.vector_store %arg13[%swap3A_713], %select_n3A_712 {strides = array<i32>} : memref<1280xf32, #tpu.memory_space<vmem>>, vector<16xf32>,
        %scan3A_715 = arith.constant 0 : i32
        scf.yield %scan3A_715 : i32
      }
      %scan3A_248 = arith.constant 10 : i32
      %eq3A_249 = arith.constant 0 : i32
      %eq3A_250 = arith.cmpi eq, %arg1, %eq3A_249 : i32
      %convert_element_type3A_251 = arith.extui %eq3A_250 : i1 to i32
      %cond3A = arith.constant 0 : i32
      %cond3A_252 = arith.cmpi ne, %convert_element_type3A_251, %cond3A : i32
      scf.if %cond3A_252 {
        %jit3A_254 = arith.constant 1.000000e+00 : f32
        %jit3A_255 = arith.constant 0.000000e+00 : f32
        %select_n3A_256 = arith.select %gt3A_176, %jit3A_254, %jit3A_255 : f32
        %eq3A_257 = arith.constant 0 : i32
        %eq3A_258 = vector.broadcast %eq3A_257 : i32 to vector<16xi32>
        %eq3A_259 = arith.cmpi eq, %iota3A, %eq3A_258 : vector<16xi32>
        %jit3A_260 = arith.constant 0.000000e+00 : f32
        %broadcast_in_dim3A_261 = vector.broadcast %reduce_sum3A_201 : f32 to vector<16xf32>
        %broadcast_in_dim3A_262 = vector.broadcast %jit3A_260 : f32 to vector<16xf32>
        %select_n3A_263 = arith.select %eq3A_259, %broadcast_in_dim3A_261, %broadcast_in_dim3A_262 : vector<16xi1>, vector<16xf32>
        %eq3A_264 = arith.constant 1 : i32
        %eq3A_265 = vector.broadcast %eq3A_264 : i32 to vector<16xi32>
        %eq3A_266 = arith.cmpi eq, %iota3A, %eq3A_265 : vector<16xi32>
        %jit3A_267 = arith.constant 0.000000e+00 : f32
        %broadcast_in_dim3A_268 = vector.broadcast %reduce_sum3A_211 : f32 to vector<16xf32>
        %broadcast_in_dim3A_269 = vector.broadcast %jit3A_267 : f32 to vector<16xf32>
        %select_n3A_270 = arith.select %eq3A_266, %broadcast_in_dim3A_268, %broadcast_in_dim3A_269 : vector<16xi1>, vector<16xf32>
        %add3A_271 = arith.addf %select_n3A_263, %select_n3A_270 : vector<16xf32>
        %eq3A_272 = arith.constant 2 : i32
        %eq3A_273 = vector.broadcast %eq3A_272 : i32 to vector<16xi32>
        %eq3A_274 = arith.cmpi eq, %iota3A, %eq3A_273 : vector<16xi32>
        %jit3A_275 = arith.constant 0.000000e+00 : f32
        %broadcast_in_dim3A_276 = vector.broadcast %reduce_sum3A_221 : f32 to vector<16xf32>
        %broadcast_in_dim3A_277 = vector.broadcast %jit3A_275 : f32 to vector<16xf32>
        %select_n3A_278 = arith.select %eq3A_274, %broadcast_in_dim3A_276, %broadcast_in_dim3A_277 : vector<16xi1>, vector<16xf32>
        %add3A_279 = arith.addf %add3A_271, %select_n3A_278 : vector<16xf32>
        %eq3A_280 = arith.constant 3 : i32
        %eq3A_281 = vector.broadcast %eq3A_280 : i32 to vector<16xi32>
        %eq3A_282 = arith.cmpi eq, %iota3A, %eq3A_281 : vector<16xi32>
        %jit3A_283 = arith.constant 0.000000e+00 : f32
        %broadcast_in_dim3A_284 = vector.broadcast %reduce_sum3A_231 : f32 to vector<16xf32>
        %broadcast_in_dim3A_285 = vector.broadcast %jit3A_283 : f32 to vector<16xf32>
        %select_n3A_286 = arith.select %eq3A_282, %broadcast_in_dim3A_284, %broadcast_in_dim3A_285 : vector<16xi1>, vector<16xf32>
        %add3A_287 = arith.addf %add3A_279, %select_n3A_286 : vector<16xf32>
        %eq3A_288 = arith.constant 4 : i32
        %eq3A_289 = vector.broadcast %eq3A_288 : i32 to vector<16xi32>
        %eq3A_290 = arith.cmpi eq, %iota3A, %eq3A_289 : vector<16xi32>
        %jit3A_291 = arith.constant 0.000000e+00 : f32
        %broadcast_in_dim3A_292 = vector.broadcast %reduce_max3A_161 : f32 to vector<16xf32>
        %broadcast_in_dim3A_293 = vector.broadcast %jit3A_291 : f32 to vector<16xf32>
        %select_n3A_294 = arith.select %eq3A_290, %broadcast_in_dim3A_292, %broadcast_in_dim3A_293 : vector<16xi1>, vector<16xf32>
        %add3A_295 = arith.addf %add3A_287, %select_n3A_294 : vector<16xf32>
        %mul3A_296 = vector.broadcast %select_n3A_256 : f32 to vector<16xf32>
        %mul3A_297 = arith.mulf %add3A_295, %mul3A_296 : vector<16xf32>
        %swap3A_298 = arith.constant 0 : index
        %swap3A_299 = tpu.vector_load %arg16[%swap3A_298] {strides = array<i32>} : memref<16xf32, #tpu.memory_space<vmem>>, vector<16xf32>,
        tpu.vector_store %arg16[%swap3A_298], %mul3A_297 {strides = array<i32>} : memref<16xf32, #tpu.memory_space<vmem>>, vector<16xf32>,
        "tpu.region"() ({
          %run_scoped3A = tpu.sem_alloc : memref<!tpu.dma_semaphore, #tpu.memory_space<semaphore_mem>>
          %dma_start3A = arith.constant 0 : i32
          %dma_start3A_300 = tpu.memref_slice %arg7[%scan3A_14, %dma_start3A] : memref<300x16xf32, #tpu.memory_space<hbm>> -> memref<1x16xf32, #tpu.memory_space<hbm>>
          %dma_start3A_301 = tpu.memref_squeeze %dma_start3A_300 : memref<1x16xf32, #tpu.memory_space<hbm>> -> memref<16xf32, #tpu.memory_space<hbm>>
          %dma_start3A_302 = arith.constant 0 : i32
          %dma_start3A_303 = tpu.memref_slice %arg7[%scan3A_14, %dma_start3A_302] : memref<300x16xf32, #tpu.memory_space<hbm>> -> memref<1x16xf32, #tpu.memory_space<hbm>>
          %dma_start3A_304 = tpu.memref_squeeze %dma_start3A_303 : memref<1x16xf32, #tpu.memory_space<hbm>> -> memref<16xf32, #tpu.memory_space<hbm>>
          tpu.enqueue_dma source(%arg16 : memref<16xf32, #tpu.memory_space<vmem>>) target(%dma_start3A_304 : memref<16xf32, #tpu.memory_space<hbm>>) target_semaphore(%run_scoped3A : memref<!tpu.dma_semaphore, #tpu.memory_space<semaphore_mem>>)
          %dma_wait3A = arith.constant 0 : i32
          %dma_wait3A_305 = tpu.memref_slice %arg7[%scan3A_14, %dma_wait3A] : memref<300x16xf32, #tpu.memory_space<hbm>> -> memref<1x16xf32, #tpu.memory_space<hbm>>
          %dma_wait3A_306 = tpu.memref_squeeze %dma_wait3A_305 : memref<1x16xf32, #tpu.memory_space<hbm>> -> memref<16xf32, #tpu.memory_space<hbm>>
          %dma_wait3A_307 = arith.constant 0 : i32
          %dma_wait3A_308 = tpu.memref_slice %arg7[%scan3A_14, %dma_wait3A_307] : memref<300x16xf32, #tpu.memory_space<hbm>> -> memref<1x16xf32, #tpu.memory_space<hbm>>
          %dma_wait3A_309 = tpu.memref_squeeze %dma_wait3A_308 : memref<1x16xf32, #tpu.memory_space<hbm>> -> memref<16xf32, #tpu.memory_space<hbm>>
          tpu.wait_dma2 semaphore(%run_scoped3A : memref<!tpu.dma_semaphore, #tpu.memory_space<semaphore_mem>>) src(%arg16 : memref<16xf32, #tpu.memory_space<vmem>>) dst(%dma_wait3A_309 : memref<16xf32, #tpu.memory_space<hbm>>)
          tpu.yield
        }) : () -> ()
      } else {
      }
      %scan3A_253 = arith.constant 0 : i32
      scf.yield %scan3A_253 : i32
    }
    %scan3A_13 = arith.constant 300 : i32
    return
  }
}

</mosaic_0001>

<sc_bundles>
// kernel: _sc_nms.3.cloned.1.call-start
scs
__scs_entry_jumppad:
0x0: {  	(pc) =	sbr.rel $0x88, $3  }
0x1: {  	(tag) =	ssettag $0x0;
	lr =	simm.s32 $0x1  }
0x2: {  	[smem:$0x3F9C] =	sst lr;
	_ =	strace $0xD0000000  }
0x3: {  	_ = 	snop  }
0x4: {  	_ = 	snop  }
0x5: {  	_ = 	snop  }
0x6: {  	_ = 	snop  }
0x7: {  	_ = 	snop  }
__scs_overlays_trampoline_lowered:
0x8: {  	[smem:$0x3FAB] =	sst s0  }
0x9: {  	[smem:$0x3FAC] =	sst s1  }
0xa: {  	[smem:$0x3FAD] =	sst s2  }
0xb: {  	[smem:$0x3FAE] =	sst s3  }
0xc: {  	[smem:$0x3FAF] =	sst s4  }
0xd: {  	[smem:$0x3FB0] =	sst s5  }
0xe: {  	[smem:$0x3FB1] =	sst s6  }
0xf: {  	[smem:$0x3FB2] =	sst s7  }
0x10: {  	[smem:$0x3FB3] =	sst s8  }
0x11: {  	[smem:$0x3FB4] =	sst s9;
	s0 =	simm.s32 @!p0 $0x0  }
0x12: {  	s1 =	sld [smem:$0x3F9A];
	s0 =	simm.s32 @p0 $0x1  }
0x13: {  	[smem:$0x3FB5] =	sst s0;
	s0 =	simm.s32 @!p1 $0x0  }
0x14: {  	s2 =	sld [smem:$0x3F99];
	s0 =	simm.s32 @p1 $0x1  }
0x15: {  	[smem:$0x3FB6] =	sst s0;
	s0 =	simm.s32 @!p2 $0x0  }
0x16: {  	s3 =	sld [smem:$0x3FDB];
	s0 =	simm.s32 @p2 $0x1  }
0x17: {  	s4 =	simm.s32 $0x1BF5;
	[smem:$0x3FB8] =	sst s0  }
0x18: {  	s0 =	sld [smem:$0x3F9B];
	_ =	swait.ge [sflag:s4], $0x0  }
0x19: {  	s7 =	sld [smem:$0x3F9C]  }
0x1a: {  	s8 =	sadd.s32 $0xFFFFE003, lr  }
0x1b: {  	s9 =	sadd.s32 $0xFFFFFEF7, lr;
	s5 =	simm.s32 $0xFFFFFFFF;
	p2 =	slt.u32 s8, $0xFFFFF086  }
0x1c: {  	p1 =	slt.u32 s9, $0xF7A;
	s5 =	simm.s32 @!p2 $0x0  }
0x1d: {  	s5 =	simm.s32 @p1 $0x1;
	p0 =	seq.s32 s7, s2  }
0x1e: {  	s7 =	smul.u32 @!p0 $0xF7A, s2;
	p2 =	seq.s32 @!p0 s5, $0x0  }
0x1f: {  	s9 =	smul.u32 $0xF7A, s1;
	s8 =	simm.s32 @!p0 $0x1BF5;
	p2 =	por !p2, p0  }
0x20: {  	[sflag:s8] =	ssyncset.s32 @!p0 $0xFFFFF086;
	s6 =	sadd.s32 @!p0 s3, s7;
	s7 =	simm.s32 @!p0 $0x108  }
0x21: {  	s3 =	sadd.s32 s3, s9;
	s6 =	sadd.s32 @!p0 $0x88, s6;
	s7 =	simm.s32 @p2 $0x1082  }
0x22: {  	[simem:s7], [sflag:s8] =	dma.local @!p0 [hbm:s6], $0xF7A  }
0x23: {  	s9 =	sor.u32 $0xD0000000, s2;
	s6 =	simm.s32 $0x108;
	_ =	swait.ge @!p0 [sflag:s8], $0x0  }
0x24: {  	s3 =	sadd.s32 $0x88, s3;
	s6 =	simm.s32 @!p1 $0x1082;
	[sflag:s4] =	ssyncset.s32 $0xFFFFF086  }
0x25: {  	[simem:s6], [sflag:s4] =	dma.local [hbm:s3], $0xF7A  }
0x26: {  	[smem:$0x3F9C] =	sst s1;
	(tag) =	ssettag s2;
	_ =	strace s9  }
0x27: {  	s1 =	sld [smem:$0x3FAC]  }
0x28: {  	s2 =	sld [smem:$0x3FAD]  }
0x29: {  	s4 =	sld [smem:$0x3FAF]  }
0x2a: {  	p0 =	seq.s32 s5, $0x0;
	s5 =	sld [smem:$0x3FB0]  }
0x2b: {  	s6 =	sld [smem:$0x3FB1]  }
0x2c: {  	s7 =	sld [smem:$0x3FB2]  }
0x2d: {  	s3 =	simm.s32 $0x108;
	s8 =	sld [smem:$0x3FB3]  }
0x2e: {  	s3 =	simm.s32 @!p0 $0x1082;
	s9 =	sld [smem:$0x3FB4]  }
0x2f: {  	lr =	sadd.s32 s0, s3;
	s0 =	sld [smem:$0x3FAB]  }
0x30: {  	s3 =	sld [smem:$0x3FAE]  }
0x31: {  	[smem:$0x3FB7] =	sst s10  }
0x32: {  	s10 =	sld [smem:$0x3FB5];
	_ =	sdelay $0x3  }
0x33: {  	p0 =	seq.s32 s10, $0x1;
	s10 =	sld [smem:$0x3FB7];
	_ =	sdelay $0x3  }
0x34: {  	[smem:$0x3FB7] =	sst s10  }
0x35: {  	s10 =	sld [smem:$0x3FB6];
	_ =	sdelay $0x3  }
0x36: {  	p1 =	seq.s32 s10, $0x1;
	s10 =	sld [smem:$0x3FB7];
	_ =	sdelay $0x3  }
0x37: {  	[smem:$0x3FB7] =	sst s10  }
0x38: {  	s10 =	sld [smem:$0x3FB8]  }
0x39: {  	_ = 	snop;
	(pc) =	sbr.ind lr, $3  }
0x3a: {  	_ = 	snop  }
0x3b: {  	_ = 	snop  }
0x3c: {  	p2 =	seq.s32 s10, $0x1;
	s10 =	sld [smem:$0x3FB7]  }
0x3d: {  	_ =	shalt  }
0x3e: {  	_ =	shalt  }
0x3f: {  	_ =	shalt  }
0x40: {  	_ =	shalt  }
0x41: {  	_ =	shalt  }
0x42: {  	_ =	shalt  }
0x43: {  	_ =	shalt  }
0x44: {  	_ =	shalt  }
0x45: {  	_ =	shalt  }
0x46: {  	_ =	shalt  }
0x47: {  	_ =	shalt  }
0x48: {  	_ =	shalt  }
0x49: {  	_ =	shalt  }
0x4a: {  	_ =	shalt  }
0x4b: {  	_ =	shalt  }
0x4c: {  	_ =	shalt  }
0x4d: {  	_ =	shalt  }
0x4e: {  	_ =	shalt  }
0x4f: {  	_ =	shalt  }
0x50: {  	_ =	shalt  }
0x51: {  	_ =	shalt  }
0x52: {  	_ =	shalt  }
0x53: {  	_ =	shalt  }
0x54: {  	_ =	shalt  }
0x55: {  	_ =	shalt  }
0x56: {  	_ =	shalt  }
0x57: {  	_ =	shalt  }
0x58: {  	_ =	shalt  }
0x59: {  	_ =	shalt  }
0x5a: {  	_ =	shalt  }
0x5b: {  	_ =	shalt  }
0x5c: {  	_ =	shalt  }
0x5d: {  	_ =	shalt  }
0x5e: {  	_ =	shalt  }
0x5f: {  	_ =	shalt  }
0x60: {  	_ =	shalt  }
0x61: {  	_ =	shalt  }
0x62: {  	_ =	shalt  }
0x63: {  	_ =	shalt  }
0x64: {  	_ =	shalt  }
0x65: {  	_ =	shalt  }
0x66: {  	_ =	shalt  }
0x67: {  	_ =	shalt  }
0x68: {  	_ =	shalt  }
0x69: {  	_ =	shalt  }
0x6a: {  	_ =	shalt  }
0x6b: {  	_ =	shalt  }
0x6c: {  	_ =	shalt  }
0x6d: {  	_ =	shalt  }
0x6e: {  	_ =	shalt  }
0x6f: {  	_ =	shalt  }
0x70: {  	_ =	shalt  }
0x71: {  	_ =	shalt  }
0x72: {  	_ =	shalt  }
0x73: {  	_ =	shalt  }
0x74: {  	_ =	shalt  }
0x75: {  	_ =	shalt  }
0x76: {  	_ =	shalt  }
0x77: {  	_ =	shalt  }
0x78: {  	_ =	shalt  }
0x79: {  	_ =	shalt  }
0x7a: {  	_ =	shalt  }
0x7b: {  	_ =	shalt  }
0x7c: {  	_ =	shalt  }
0x7d: {  	_ =	shalt  }
0x7e: {  	_ =	shalt  }
0x7f: {  	_ =	shalt  }
0x80: {  	_ =	shalt  }
0x81: {  	_ =	shalt  }
0x82: {  	_ =	shalt  }
0x83: {  	_ =	shalt  }
0x84: {  	_ =	shalt  }
0x85: {  	_ =	shalt  }
0x86: {  	_ =	shalt  }
0x87: {  	_ =	shalt  }
.Lfunc_end0:
.L_simem_size_0:
called_computation_lowered:
.L_overlay_start_0:
0x88: {  	s0 =	sld [smem:$0x3FD9]  }
0x89: {  	s1 =	sld [smem:$0x3FFE];
	_ =	sdelay $0x3  }
0x8a: {  	s0 =	sadd.s32 s1, s0  }
0x8b: {  	[smem:$0x3FC3] =	sst s0  }
0x8c: {  	_ = 	snop  }
0x8d: {  	s0 =	sld [smem:$0x3FC9]  }
0x8e: {  	s16 =	sld [smem:$0x3FC8]  }
0x8f: {  	s2 =	sld [smem:$0x3FC7]  }
0x90: {  	s3 =	sld [smem:$0x3FC6]  }
0x91: {  	s4 =	sld [smem:$0x3FC5];
	(tm) =	ssettm $0x1  }
0x92: {  	s5 =	sld [smem:$0x3FFB];
	_ =	sdelay $0x3  }
0x93: {  	_ =	strace s5  }
0x94: {  	s5 =	sld [smem:$0x3FFC];
	_ =	sdelay $0x3  }
0x95: {  	_ =	strace s5  }
0x96: {  	s5 =	sld [smem:$0x3FFD];
	_ =	sdelay $0x3  }
0x97: {  	_ =	strace s5  }
0x98: {  	_ =	strace $0x8FFFFFFF  }
0x99: {  	s17 =	sld [smem:$0x3FDB];
	_ =	sdelay $0x1  }
0x9a: {  	s6 =	simm.s32 $_scs_section_size  }
0x9b: {  	s7 =	simm.s32 $_size__tile_overlayer_lowered;
	s8 =	simm.s32 $_tile_overlayer_lowered  }
0x9c: {  	s20 =	simm.s32 $0x1BFF;
	s19 =	sshll.u32 s8, $0x1;
	s5 =	sadd.s32 s6, s17  }
0x9d: {  	s9 =	simm.s32 $0x0;
	s18 =	sshll.u32 s7, $0x1;
	s7 =	sadd.s32 s19, s5  }
0x9e: {  	[timem:s9], [sflag:s20] =	dma.local [hbm:s7], s18  }
0x9f: {  	_ =	swait.ge [sflag:s20], s18  }
0xa0: {  	s6 =	ssub.s32 $0x0, s18;
	[sflag:s20] =	ssyncset.done $0x0  }
0xa1: {  	[sflag:s20] =	ssyncadd.s32 s6;
	_ =	sdelay $0x1  }
0xa2: {  	s21 =	simm.s32 $0x1B8B  }
0xa3: {  	_ =	swait.ge [sflag:s21], $0x1  }
0xa4: {  	[sflag:s21] =	ssyncset.done $0x0  }
0xa5: {  	s23 =	simm.s32 $0x1B8E;
	s22 =	sld [smem:$0x3FFE];
	[sflag:s21] =	ssyncadd.s32 $0xFFFFFFFF  }
0xa6: {  	s24 =	simm.s32 $execute0_lowered;
	[smem:$0x3FD2] =	sst s23  }
0xa7: {  	s7 =	sshll.u32 s24, $0x1;
	_ =	strace $0x80000046;
	[dreg:$0x1] =	wrdreg $0xFFFFFFFF  }
0xa8: {  	s25 =	simm.s32 $_size_execute0_lowered;
	s5 =	sadd.s32 s5, s7;
	[dreg:$0x0] =	wrdreg $0x0  }
0xa9: {  	s7 =	sshll.u32 s25, $0x1;
	[dreg:$0x2] =	wrdreg s5  }
0xaa: {  	[dreg:$0x3] =	wrdreg s7  }
0xab: {  	[dreg:$0x4] =	wrdreg $0xC0  }
0xac: {  	_ =	task [dreg:s9], $0x5FFFF  }
0xad: {  	[dreg:$0x1] =	wrdreg $0xFFFFFFFF  }
0xae: {  	[dreg:$0x0] =	wrdreg $0x60  }
0xaf: {  	[dreg:$0x2] =	wrdreg s0  }
0xb0: {  	[dreg:$0x3] =	wrdreg s16  }
0xb1: {  	[dreg:$0x4] =	wrdreg s2  }
0xb2: {  	[dreg:$0x5] =	wrdreg s3  }
0xb3: {  	[dreg:$0x6] =	wrdreg s4  }
0xb4: {  	[dreg:$0x7] =	wrdreg s22  }
0xb5: {  	[dreg:$0x8] =	wrdreg $0x20000  }
0xb6: {  	[dreg:$0x9] =	wrdreg $0x9  }
0xb7: {  	_ =	task.clear_ibuf [dreg:s9], $0xAFFFF;
	_ =	strace $0x90000046  }
0xb8: {  	s26 =	simm.s32 $0x9;
	_ =	strace $0x80000048  }
0xb9: {  	_ =	swait.ge [sflag:s26], $0x1  }
0xba: {  	[sflag:s26] =	ssyncadd.s32 $0xFFFFFFFF  }
0xbb: {  	_ =	strace $0x90000048  }
0xbc: {  	_ =	sfence  }
0xbd: {  	s28 =	sld [smem:$0x0];
	_ =	sdelay $0x1  }
0xbe: {  	s29 =	srdreg.scid  }
0xbf: {  	s30 =	sshll.u32 s29, $0xD;
	s31 =	sshrl.u32 s29, $0x2  }
0xc0: {  	s1 =	sand.u32 $0x1, s29;
	s2 =	sand.u32 $0x4000, s30;
	s0 =	sadd.s32 s31, s28  }
0xc1: {  	s1 =	sor.u32 s2, s1;
	s0 =	sshll.u32 s0, $0x11  }
0xc2: {  	s0 =	sor.u32 s0, s1  }
0xc3: {  	s0 =	sadd.s32 $0x8F2B, s0  }
0xc4: {  	[sflag:s0] =	ssyncadd.remote.s32 $0x1  }
0xc5: {  	_ =	sfence.sel $0xFFFF  }
0xc6: {  	[dreg:$0x0] =	wrdreg $0xFFFFFFFF;
	(pc) =	sbr.abs _section_cstart, $3  }
0xc7: {  	[dreg:$0x1] =	wrdreg $0xFFFFFFFF  }
0xc8: {  	_ =	task.clear_ibuf [dreg:s9], $0x2FFFF;
	_ =	strace $0x9FFFFFFF  }
0xc9: {  	(tm) =	ssettm $0x7FFFFFFF  }
tec
execute0_lowered:
.L_overlay_start_1:
0x0: {  	(tag) =	ssettag $0x1  }
0x1: {  	s3 =	rddreg [dreg:$0x0]  }
0x2: {  	s4 =	rddreg [dreg:$0x1]  }
0x3: {  	s5 =	rddreg [dreg:$0x2]  }
0x4: {  	s6 =	rddreg [dreg:$0x3]  }
0x5: {  	s7 =	rddreg [dreg:$0x4]  }
0x6: {  	s8 =	rddreg [dreg:$0x5];
	s13 =	stileid.u32  }
0x7: {  	s1 =	rddreg [dreg:$0x6];
	s2 =	smul.u32 $0x500, s13  }
0x8: {  	s0 =	rddreg [dreg:$0x7];
	s9 =	simm.s32 $0x0  }
0x9: {  	[smem:$0x7FF] =	sst s9;
	s10 =	sshrl.u32 s2, $0x3  }
0xa: {  	s25 =	simm.s32 $0x1;
	_ =	strace $0x80000047;
	s3 =	sadd.s32 s3, s10  }
0xb: {  	[tilespmem:s9], [sflag:$0x1] =	stream.linear.gather [hbm4b:s3+s9], $0x500, $0x38;
	[tilespmem:$0x2010] =	vst v63  }
0xc: {  	_ =	swait.ge [sflag:s25], $0x500  }
0xd: {  	[sflag:s25] =	ssyncset.done $0x0  }
0xe: {  	s11 =	simm.s32 $0xA00;
	s5 =	sadd.s32 s5, s10;
	[sflag:s25] =	ssyncadd.s32 $0xFFFFFB00  }
0xf: {  	[tilespmem:s11], [sflag:$0x1] =	stream.linear.gather [hbm4b:s5+s9], $0x500, $0x38;
	[tilespmem:$0x2010] =	vst v63  }
0x10: {  	_ =	swait.ge [sflag:s25], $0x500  }
0x11: {  	[sflag:s25] =	ssyncset.done $0x0  }
0x12: {  	s26 =	simm.s32 $0x500;
	s4 =	sadd.s32 s4, s10;
	[sflag:s25] =	ssyncadd.s32 $0xFFFFFB00  }
0x13: {  	[tilespmem:s26], [sflag:$0x1] =	stream.linear.gather [hbm4b:s4+s9], $0x500, $0x38;
	[tilespmem:$0x2010] =	vst v63  }
0x14: {  	_ =	swait.ge [sflag:s25], $0x500  }
0x15: {  	[sflag:s25] =	ssyncset.done $0x0  }
0x16: {  	s29 =	simm.s32 $0xF00;
	s28 =	sadd.s32 s6, s10;
	[sflag:s25] =	ssyncadd.s32 $0xFFFFFB00  }
0x17: {  	[tilespmem:s29], [sflag:$0x1] =	stream.linear.gather [hbm4b:s28+s9], $0x500, $0x38;
	[tilespmem:$0x2010] =	vst v63  }
0x18: {  	_ =	swait.ge [sflag:s25], $0x500  }
0x19: {  	[sflag:s25] =	ssyncset.done $0x0  }
0x1a: {  	s31 =	simm.s32 $0x1900;
	s30 =	sadd.s32 s7, s10;
	[sflag:s25] =	ssyncadd.s32 $0xFFFFFB00  }
0x1b: {  	[tilespmem:s31], [sflag:$0x1] =	stream.linear.gather [hbm4b:s30+s9], $0x500, $0x38;
	[tilespmem:$0x2010] =	vst v63  }
0x1c: {  	_ =	swait.ge [sflag:s25], $0x500  }
0x1d: {  	[sflag:s25] =	ssyncset.done $0x0  }
0x1e: {  	s5 =	simm.s32 $0x0;
	[sflag:s25] =	ssyncadd.s32 $0xFFFFFB00  }
0x1f: {  	v0 =	vld [tilespmem:s5+$0xF00]  }
0x20: {  	v1 =	vld [tilespmem:s5+$0x500]  }
0x21: {  	v3 =	vld [tilespmem:s5+$0xA00]  }
0x22: {  	v4 =	vld [tilespmem:s5+$0x0];
	_ =	sdelay $0x2  }
0x23: {  	v5 =	vmax.f32 v1, v0  }
0x24: {  	s4 =	simm.s32 $0x10;
	v6 =	vmin.f32 v1, v0;
	[tilespmem:s5+$0xF00] =	vst v5  }
0x25: {  	v7 =	vmax.f32 v4, v3;
	v8 =	vmin.f32 v4, v3;
	v0 =	vld [tilespmem:s4+$0xF00];
	[tilespmem:s5+$0x500] =	vst v6  }
0x26: {  	v3 =	vsub.f32 v5, v6;
	v4 =	vsub.f32 v7, v8;
	v2 =	vld [tilespmem:s4+$0x500];
	[tilespmem:s5+$0xA00] =	vst v7  }
0x27: {  	s6 =	simm.s32 $0xC0;
	s3 =	sadd.s32 $0x400, s8;
	s11 =	simm.s32 $0x20;
	v1 =	vld [tilespmem:s4+$0xA00];
	[tilespmem:s5+$0x0] =	vst v8  }
.LBB2_1:
0x28: {  	p0 =	sne.s32 s6, $0x13C0;
	v5 =	vld [tilespmem:s4+$0x0];
	v3 =	vmul.f32 v3, v4;
	s7 =	smov.u32 s6;
	s6 =	sadd.s32 $0x40, s6  }
0x29: {  	_ = 	snop  }
0x2a: {  	[tilespmem:s5+$0x1400] =	vst v3;
	s5 =	smov.u32 s4;
	s4 =	smov.u32 s11  }
.Ltmp0:
0x2b: {  	v4 =	vmin.f32 v2, v0;
	v0 =	vmax.f32 v2, v0;
	(pc) =	sbr.rel @p0 .LBB2_1-.Ltmp0, $4  }
0x2c: {  	[tilespmem:s5+$0xF00] =	vst v0;
	v3 =	vsub.f32 v0, v4  }
0x2d: {  	s11 =	sshra.s32 s7, $0x2;
	v0 =	vld [tilespmem:s4+$0xF00];
	v6 =	vmin.f32 v5, v1;
	v1 =	vmax.f32 v5, v1;
	[tilespmem:s5+$0x500] =	vst v4  }
0x2e: {  	v2 =	vld [tilespmem:s4+$0x500];
	[tilespmem:s5+$0xA00] =	vst v1;
	v4 =	vsub.f32 v1, v6  }
0x2f: {  	v1 =	vld [tilespmem:s4+$0xA00];
	[tilespmem:s5+$0x0] =	vst v6  }
0x30: {  	v60 =	vld [tilespmem:s4+$0x0]  }
0x31: {  	v3 =	vmul.f32 v3, v4;
	_ =	sdelay $0x1  }
0x32: {  	[tilespmem:s5+$0x1400] =	vst v3;
	v3 =	vmax.f32 v2, v0  }
0x33: {  	v0 =	vmin.f32 v2, v0;
	[tilespmem:s4+$0xF00] =	vst v3  }
0x34: {  	v2 =	vld [tilespmem:s11+$0xF00];
	[tilespmem:s4+$0x500] =	vst v0;
	v5 =	vmax.f32 v60, v1  }
0x35: {  	v1 =	vmin.f32 v60, v1;
	v6 =	vld [tilespmem:s11+$0x500];
	[tilespmem:s4+$0xA00] =	vst v5  }
0x36: {  	v61 =	vld [tilespmem:s11+$0xA00];
	[tilespmem:s4+$0x0] =	vst v1  }
0x37: {  	v7 =	vld [tilespmem:s11+$0x0]  }
0x38: {  	v0 =	vsub.f32 v3, v0;
	v1 =	vsub.f32 v5, v1;
	_ =	sdelay $0x1  }
0x39: {  	v0 =	vmul.f32 v0, v1  }
0x3a: {  	v3 =	vmin.f32 v6, v2  }
0x3b: {  	v2 =	vmax.f32 v6, v2;
	[tilespmem:s4+$0x1400] =	vst v0;
	v62 =	vmin.f32 v7, v61;
	v4 =	vmax.f32 v7, v61  }
0x3c: {  	vm3 =	vcmask $0x3F10;
	v1 =	vsub.f32 v2, v3;
	[tilespmem:s11+$0xF00] =	vst v2;
	v63 =	vsub.f32 v4, v62  }
0x3d: {  	s31 =	sshll.u32 s13, $0x4;
	vm4 =	vcmask $0x3F0C;
	s6 =	simm.s32 $0x500;
	vm5 =	vmmov $0x1;
	vm6 =	vcmask $0x308;
	[tilespmem:s11+$0x500] =	vst v3  }
0x3e: {  	s7 =	simm.s32 $0xA00;
	s8 =	simm.s32 $0xF00;
	s9 =	simm.s32 $0x1400;
	vm7 =	vcmask $0x70C;
	vm8 =	vcmask $0xB10;
	[tilespmem:s11+$0xA00] =	vst v4;
	v6 =	vmul.f32 v1, v63  }
0x3f: {  	s10 =	simm.s32 $0x1E00;
	s12 =	simm.s32 $0x1E80;
	vm9 =	vcmask $0xF14;
	vm10 =	vcmask $0x1318;
	p0 =	sne.s32 s13, $0x0;
	v0 =	vlaneseq.u32;
	[tilespmem:s11+$0x0] =	vst v62  }
0x40: {  	vm11 =	vcmask $0x171C;
	s5 =	simm.s32 $0x0;
	s4 =	sadd.s32 s31, s1;
	v2 =	vor.u32 $0x80000000, v0;
	v1 =	vmul.u32 $0x10, v0;
	[tilespmem:s11+$0x1400] =	vst v6;
	s11 =	simm.s32 $0x2  }
.LBB2_3:
0x41: {  	s13 =	simm.s32 $0x1C20  }
0x42: {  	v5 =	vld [tilespmem:s13+$0xFFFFFCE0]  }
0x43: {  	v6 =	vld [tilespmem:s13+$0xFFFFFD80]  }
0x44: {  	v10 =	vld [tilespmem:s13+$0xFFFFFEC0]  }
0x45: {  	v14 =	vld [tilespmem:s13+$0x0]  }
0x46: {  	s14 =	simm.s32 $0x0;
	s15 =	simm.s32 $0x280;
	v12 =	vimm.f32 $-1.000000020e+30;
	v22 =	vld [tilespmem:s13+$0xA0]  }
0x47: {  	v4 =	vimm.s32 $0x0;
	s23 =	simm.s32 $0xA0;
	s18 =	simm.s32 $0x460;
	s24 =	simm.s32 $0x140;
	v27 =	vld [tilespmem:s13+$0x140]  }
0x48: {  	s25 =	simm.s32 $0x1E0;
	s26 =	simm.s32 $0x320;
	s28 =	simm.s32 $0x3C0;
	v11 =	vor.u32 s14, v0;
	v15 =	vor.u32 s15, v0;
	v21 =	vor.u32 s23, v0  }
0x49: {  	s29 =	simm.s32 $0x10;
	v9 =	vld [tilespmem:s13+$0xFFFFFE20];
	s16 =	sand.u32 $0x380, s15;
	s17 =	sand.u32 $0x70, s14;
	v3 =	vor.u32 s18, v0;
	v23 =	vor.u32 s24, v0;
	v29 =	vor.u32 s25, v0  }
0x4a: {  	v8 =	vor.u32 s26, v0;
	v7 =	vor.u32 s28, v0;
	v28 =	vor.u32 s29, v0;
	s16 =	sor.u32 s17, s16  }
0x4b: {  	v16 =	vld [tilespmem:s16+$0x1900];
	vm0 =	vgt.f32 v5, v12;
	vm1 =	vgt.f32 v6, v12;
	vm15 =	vgt.f32 v10, v12  }
0x4c: {  	vm14 =	vgt.f32 v14, v12;
	vm13 =	vgt.f32 v22, v12;
	vm12 =	vgt.f32 v27, v12  }
0x4d: {  	s13 =	simm.s32 $0x1C30;
	v18 =	vsel vm0, v5, v12;
	v20 =	vsel vm0, v11, v4;
	v19 =	vsel vm1, v6, v12  }
0x4e: {  	s30 =	simm.s32 $0x290;
	v24 =	vld [tilespmem:s13+$0xFFFFFCE0];
	vm0 =	vgt.f32 v9, v12;
	v13 =	vsel vm15, v10, v12;
	v10 =	vsel vm14, v14, v12  }
0x4f: {  	v26 =	vld [tilespmem:s13+$0xFFFFFD80];
	v6 =	vsel vm13, v22, v12;
	v5 =	vsel vm12, v27, v12;
	v14 =	vor.u32 s30, v0  }
0x50: {  	v25 =	vld [tilespmem:s13+$0xFFFFFE20];
	v27 =	vsel vm1, v21, v4;
	v21 =	vsel vm15, v29, v4;
	vm2 =	vgt.f32 v16, v12  }
0x51: {  	s15 =	sand.u32 $0x380, s30;
	s31 =	sand.u32 $0x70, s29;
	v22 =	vld [tilespmem:s13+$0xFFFFFEC0];
	v17 =	vsel vm0, v9, v12;
	v23 =	vsel vm0, v23, v4;
	v9 =	vimm.s32 $0x0  }
0x52: {  	s14 =	simm.s32 $0x470;
	s16 =	sor.u32 s31, s15;
	s15 =	simm.s32 $0x480;
	v11 =	vsel vm2, v16, v12;
	v15 =	vsel vm2, v15, v4;
	v16 =	vld [tilespmem:s13+$0x0];
	v12 =	vimm.s32 $0x0  }
.LBB2_4:
0x53: {  	p1 =	sne.s32 s15, $0x4F0;
	s17 =	sadd.s32 $0xFFFFFC40, s14;
	v29 =	vld [tilespmem:s16+$0x1900];
	v4 =	vsel vm14, v8, v4;
	v12 =	vsel vm13, v7, v12;
	v9 =	vsel vm12, v3, v9  }
0x54: {  	s16 =	sadd.s32 $0xFFFFFCE0, s14;
	s18 =	sadd.s32 $0xFFFFFEC0, s14;
	v3 =	vor.u32 s14, v0;
	v30 =	vor.u32 s17, v0;
	s17 =	sadd.s32 $0xFFFFFD80, s14;
	v31 =	vld [tilespmem:s13+$0xA0]  }
0x55: {  	v32 =	vor.u32 s16, v0;
	v8 =	vor.u32 s18, v0;
	s16 =	sadd.s32 $0xFFFFFF60, s14;
	s14 =	smov.u32 s15;
	v33 =	vor.u32 s17, v0;
	v34 =	vld [tilespmem:s13+$0x140]  }
0x56: {  	vm0 =	vgt.f32 v24, v18;
	vm15 =	vgt.f32 v26, v19;
	v7 =	vor.u32 s16, v0  }
0x57: {  	v18 =	vsel vm0, v24, v18;
	v20 =	vsel vm0, v28, v20;
	v19 =	vsel vm15, v26, v19  }
0x58: {  	vm0 =	vgt.f32 v25, v17;
	s13 =	sadd.s32 $0x10, s13;
	vm1 =	vgt.f32 v22, v13;
	vm2 =	vgt.f32 v29, v11  }
.Ltmp1:
0x59: {  	v17 =	vsel vm0, v25, v17;
	v13 =	vsel vm1, v22, v13;
	v24 =	vld [tilespmem:s13+$0xFFFFFCE0];
	v11 =	vsel vm2, v29, v11;
	(pc) =	sbr.rel @p1 .LBB2_4-.Ltmp1, $4  }
0x5a: {  	vm14 =	vgt.f32 v16, v10;
	vm13 =	vgt.f32 v31, v6;
	v26 =	vld [tilespmem:s13+$0xFFFFFD80];
	vm12 =	vgt.f32 v34, v5  }
0x5b: {  	s16 =	sadd.s32 $0xFFFFFBA0, s15;
	s17 =	sadd.s32 $0xFFFFFE20, s15;
	v10 =	vsel vm14, v16, v10;
	v6 =	vsel vm13, v31, v6;
	v25 =	vld [tilespmem:s13+$0xFFFFFE20];
	v5 =	vsel vm12, v34, v5  }
0x5c: {  	v28 =	vor.u32 s16, v0;
	s18 =	sand.u32 $0x380, s17;
	s16 =	sand.u32 $0x70, s16;
	v15 =	vsel vm2, v14, v15;
	v14 =	vor.u32 s17, v0;
	v22 =	vld [tilespmem:s13+$0xFFFFFEC0]  }
0x5d: {  	s15 =	sadd.s32 $0x10, s15;
	v27 =	vsel vm15, v30, v27;
	v23 =	vsel vm0, v32, v23;
	s16 =	sor.u32 s16, s18;
	v21 =	vsel vm1, v33, v21;
	v16 =	vld [tilespmem:s13+$0x0]  }
0x5e: {  	s15 =	sadd.s32 $0xFFFFFC40, s14;
	vm0 =	vgt.f32 v24, v18  }
0x5f: {  	v29 =	vor.u32 s15, v0;
	vm1 =	vgt.f32 v26, v19;
	v18 =	vsel vm0, v24, v18  }
0x60: {  	v20 =	vsel vm0, v28, v20;
	v19 =	vsel vm1, v26, v19;
	v61 =	vsel vm1, v29, v27  }
0x61: {  	vm0 =	veq.f32 v19, v18;
	vm1 =	vlt.s32 v61, v20  }
0x62: {  	s31 =	sadd.s32 $0xFFFFFCE0, s14;
	vm2 =	vgt.f32 v25, v17;
	vm0 =	vmand vm0, vm1;
	vm1 =	vgt.f32 v19, v18  }
0x63: {  	v62 =	vor.u32 s31, v0;
	v17 =	vsel vm2, v25, v17;
	vm0 =	vmor vm1, vm0  }
0x64: {  	v23 =	vsel vm2, v62, v23;
	v18 =	vsel vm0, v19, v18;
	v19 =	vsel vm0, v61, v20  }
0x65: {  	v20 =	vld [tilespmem:s16+$0x1900];
	vm0 =	veq.f32 v17, v18;
	vm1 =	vlt.s32 v23, v19  }
0x66: {  	vm2 =	vgt.f32 v22, v13;
	s16 =	sadd.s32 $0xFFFFFD80, s14;
	vm0 =	vmand vm0, vm1;
	vm1 =	vgt.f32 v17, v18  }
0x67: {  	v13 =	vsel vm2, v22, v13;
	v63 =	vor.u32 s16, v0;
	vm0 =	vmor vm1, vm0  }
0x68: {  	v21 =	vsel vm2, v63, v21;
	v17 =	vsel vm0, v17, v18;
	v18 =	vsel vm0, v23, v19  }
0x69: {  	vm0 =	veq.f32 v13, v17;
	vm1 =	vlt.s32 v21, v18  }
0x6a: {  	vm2 =	vgt.f32 v20, v11;
	vm0 =	vmand vm0, vm1;
	vm1 =	vgt.f32 v13, v17  }
0x6b: {  	v11 =	vsel vm2, v20, v11;
	vm0 =	vmor vm1, vm0  }
0x6c: {  	v14 =	vsel vm2, v14, v15;
	v13 =	vsel vm0, v13, v17;
	v15 =	vsel vm0, v21, v18  }
0x6d: {  	v4 =	vsel vm14, v8, v4;
	v8 =	vld [tilespmem:s13+$0xA0];
	vm0 =	veq.f32 v11, v13;
	vm1 =	vlt.s32 v14, v15  }
0x6e: {  	s17 =	sadd.s32 $0xFFFFFEC0, s14;
	vm2 =	vgt.f32 v16, v10;
	vm0 =	vmand vm0, vm1;
	vm1 =	vgt.f32 v11, v13  }
0x6f: {  	v10 =	vsel vm2, v16, v10;
	v17 =	vor.u32 s17, v0;
	vm0 =	vmor vm1, vm0  }
0x70: {  	v4 =	vsel vm2, v17, v4;
	v11 =	vsel vm0, v11, v13;
	v13 =	vsel vm0, v14, v15  }
0x71: {  	v7 =	vsel vm13, v7, v12;
	v12 =	vld [tilespmem:s13+$0x140];
	vm0 =	veq.f32 v10, v11;
	vm1 =	vlt.s32 v4, v13  }
0x72: {  	s18 =	sadd.s32 $0xFFFFFF60, s14;
	vm2 =	vgt.f32 v8, v6;
	vm0 =	vmand vm0, vm1;
	vm1 =	vgt.f32 v10, v11  }
0x73: {  	v6 =	vsel vm2, v8, v6;
	v14 =	vor.u32 s18, v0;
	vm0 =	vmor vm1, vm0  }
0x74: {  	v7 =	vsel vm2, v14, v7;
	v8 =	vsel vm0, v10, v11;
	v4 =	vsel vm0, v4, v13  }
0x75: {  	v3 =	vsel vm12, v3, v9;
	vm0 =	veq.f32 v6, v8;
	vm1 =	vlt.s32 v7, v4  }
0x76: {  	vm2 =	vgt.f32 v12, v5;
	vm0 =	vmand vm0, vm1;
	vm1 =	vgt.f32 v6, v8  }
0x77: {  	v9 =	vor.u32 s14, v0;
	v5 =	vsel vm2, v12, v5;
	vm0 =	vmor vm1, vm0  }
0x78: {  	v3 =	vsel vm2, v9, v3;
	v6 =	vsel vm0, v6, v8;
	v4 =	vsel vm0, v7, v4  }
0x79: {  	vm0 =	veq.f32 v5, v6;
	vm1 =	vlt.s32 v3, v4  }
0x7a: {  	vm0 =	vmand vm0, vm1;
	vm1 =	vgt.f32 v5, v6  }
0x7b: {  	vm0 =	vmor vm1, vm0  }
0x7c: {  	v5 =	vsel vm0, v5, v6  }
0x7d: {  	(xrf0) =	vmax.scan.msk.f32 $0xffff, v5;
	_ =	sdelay $0x5  }
0x7e: {  	v6, _, _ =	vpop (xrf0)  }
0x7f: {  	v6 =	vbroadcast v6, $0xF  }
0x80: {  	v3 =	vsel vm0, v3, v4  }
0x81: {  	v3 =	vxor.u32 $0x80000000, v3;
	vm0 =	veq.f32 v5, v6  }
0x82: {  	v3 =	vnsel vm0, $0xC0000000, v3  }
0x83: {  	(xrf0) =	vmin.scan.msk.u32 $0xffff, v3;
	_ =	sdelay $0x5  }
0x84: {  	v3, _, _ =	vpop (xrf0)  }
0x85: {  	(v2sf) =	vpush v3, $0xF;
	_ =	sdelay $0xe  }
0x86: {  	s19 =	spop (v2sf)  }
0x87: {  	s13 =	sxor.u32 $0x80000000, s19  }
0x88: {  	v3 =	vmov s13;
	_ =	sdelay $0x4  }
0x89: {  	v4 =	vld.idx.msk [tilespmem:v3+s9+$0x0], $0xffff  }
0x8a: {  	v5 =	vld.idx.msk [tilespmem:v3+s8+$0x0], $0xffff  }
0x8b: {  	v7 =	vld.idx.msk [tilespmem:v3+s7+$0x0], $0xffff  }
0x8c: {  	s20 =	simm.s32 $0x0;
	v8 =	vld.idx.msk [tilespmem:v3+s6+$0x0], $0xffff  }
0x8d: {  	vm0 =	vcmask $0x3F1C;
	v3 =	vld.idx.msk [tilespmem:v3+s20+$0x0], $0xffff  }
0x8e: {  	v4 =	vsel vm0, $0x0, v4;
	vm0 =	vcmask $0x3F18  }
0x8f: {  	v4 =	vsel vm0, v4, v5;
	vm0 =	vcmask $0x3F14  }
0x90: {  	s13 =	sadd.s32 s2, s13;
	v4 =	vsel vm0, v4, v7  }
0x91: {  	s13 =	scvt.s32.f32 s13;
	v4 =	vsel vm3, v4, v8  }
0x92: {  	vm0 =	veq.s32 v0, $0x1;
	v3 =	vsel vm4, v4, v3  }
0x93: {  	v3 =	vsel vm0, s13, v3  }
0x94: {  	v3 =	vsel vm5, v6, v3  }
0x95: {  	[tilespmem:$0x1E00] =	vst v3  }
0x96: {  	[spmem:s4] =	stream.linear.scatter [tilespmem:s10], [sflag:$0x2], $0x10, $0x38;
	[tilespmem:$0x2010] =	vst v63  }
0x97: {  	_ =	swait.ge [sflag:s11], $0x10  }
0x98: {  	[sflag:s11] =	ssyncset.done $0x0  }
0x99: {  	[sflag:s11] =	ssyncadd.s32 $0xFFFFFFF0  }
0x9a: {  	[bflag:$0x0] =	sbarrier.arrive $0xFFFF  }
0x9b: {  	[tilespmem:s12], [sflag:$0x2] =	stream.linear.gather [spmem:s1], $0x100, $0x38;
	[tilespmem:$0x2010] =	vst v63  }
0x9c: {  	_ =	swait.ge [sflag:s11], $0x100  }
0x9d: {  	[sflag:s11] =	ssyncset.done $0x0  }
0x9e: {  	[sflag:s11] =	ssyncadd.s32 $0xFFFFFF00  }
0x9f: {  	[bflag:$0x0] =	sbarrier.arrive $0xFFFF  }
0xa0: {  	v5 =	vld.idx.msk [tilespmem:v1+s12+$0x0], $0xffff;
	_ =	sdelay $0x4  }
0xa1: {  	(xrf0) =	vmax.scan.msk.f32 $0xffff, v5;
	_ =	sdelay $0x5  }
0xa2: {  	v4, _, _ =	vpop (xrf0)  }
0xa3: {  	v3 =	vbroadcast v4, $0xF;
	_ =	sdelay $0x1  }
0xa4: {  	vm0 =	veq.f32 v5, v3  }
0xa5: {  	v5 =	vnsel vm0, $0xC0000000, v2  }
0xa6: {  	(xrf0) =	vmin.scan.msk.u32 $0xffff, v5;
	_ =	sdelay $0x5  }
0xa7: {  	v5, _, _ =	vpop (xrf0)  }
0xa8: {  	(v2sf) =	vpush v5, $0xF;
	_ =	sdelay $0xe  }
0xa9: {  	s21 =	spop (v2sf)  }
0xaa: {  	s13 =	sshll.u32 s21, $0x4  }
0xab: {  	v5 =	vor.u32 s13, v0;
	_ =	sdelay $0x4  }
0xac: {  	v5 =	vld.idx.msk [tilespmem:v5+s12+$0x0], $0xffff;
	_ =	sdelay $0x4  }
0xad: {  	v6 =	vsel vm6, $0x0, v5  }
0xae: {  	(xrf2) =	vadd.scan.msk.f32 $0xffff, v6;
	v6 =	vsel vm7, $0x0, v5  }
0xaf: {  	(xrf2) =	vadd.scan.msk.f32 $0xffff, v6;
	v6 =	vsel vm8, $0x0, v5  }
0xb0: {  	(xrf2) =	vadd.scan.msk.f32 $0xffff, v6;
	v6 =	vsel vm9, $0x0, v5  }
0xb1: {  	(xrf2) =	vadd.scan.msk.f32 $0xffff, v6;
	v6 =	vsel vm10, $0x0, v5  }
0xb2: {  	(xrf2) =	vadd.scan.msk.f32 $0xffff, v6;
	_ =	sdelay $0x2  }
0xb3: {  	v5 =	vsel vm11, $0x0, v5  }
0xb4: {  	s17 =	simm.s32 $0x540;
	(xrf2) =	vadd.scan.msk.f32 $0xffff, v5  }
0xb5: {  	s22 =	simm.s32 $0xF40;
	v14 =	vld [tilespmem:s17+$0xFFFFFFC0]  }
0xb6: {  	v15 =	vld [tilespmem:s22+$0xFFFFFFC0];
	s13 =	simm.s32 $0x40;
	v10, _, _ =	vpop (xrf2)  }
0xb7: {  	s14 =	simm.s32 $0xA40;
	v16 =	vld [tilespmem:s13+$0xFFFFFFC0];
	v6, _, _ =	vpop (xrf2)  }
0xb8: {  	v17 =	vld [tilespmem:s14+$0xFFFFFFC0];
	v8, _, _ =	vpop (xrf2)  }
0xb9: {  	v7, _, _ =	vpop (xrf2)  }
0xba: {  	v12 =	vbroadcast v6, $0xF;
	v13 =	vbroadcast v8, $0xF;
	v5, _, _ =	vpop (xrf2)  }
0xbb: {  	s18 =	simm.s32 $0x1440;
	v9 =	vbroadcast v7, $0xF;
	v11 =	vbroadcast v5, $0xF  }
0xbc: {  	v18 =	vld [tilespmem:s18+$0xFFFFFFC0];
	v16 =	vmax.f32 v16, v12  }
0xbd: {  	v14 =	vmax.f32 v14, v13;
	v17 =	vmin.f32 v17, v9;
	v15 =	vmin.f32 v15, v11  }
0xbe: {  	v19, _, _ =	vpop (xrf2);
	v16 =	vsub.f32 v17, v16;
	v15 =	vsub.f32 v15, v14  }
0xbf: {  	v14 =	vbroadcast v19, $0xF  }
0xc0: {  	(v2sf) =	vpush v10, $0xF;
	v10 =	vmax.f32 v16, $0.0e+00;
	v15 =	vmax.f32 v15, $0.0e+00  }
0xc1: {  	v10 =	vmul.f32 v15, v10;
	v15 =	vadd.f32 v18, v14;
	_ =	sdelay $0x1  }
0xc2: {  	v15 =	vsub.f32 v15, v10;
	_ =	sdelay $0x1  }
0xc3: {  	v15 =	vadd.f32 $9.999999930e-09, v15;
	_ =	sdelay $0x1  }
0xc4: {  	(erf) = vrcp.f32 v15;
	_ =	sdelay $0x7  }
0xc5: {  	s15 =	simm.s32 $0x1940;
	s19 =	spop (v2sf)  }
0xc6: {  	s20 =	scvt.f32.s32 s19;
	v15 =	vld [tilespmem:s15+$0xFFFFFFC0];
	v16 =	vpop (erf)  }
0xc7: {  	s23 =	sadd.s32 $0x0, s2;
	v16 =	vmul.f32 v16, v10  }
0xc8: {  	v17 =	vor.u32 s23, v0;
	v10 =	vmov s20  }
0xc9: {  	vm1 =	veq.s32 v17, v10;
	vm0 =	vgt.f32 v16, $5.000000000e-01  }
0xca: {  	vm0 =	vmor vm1, vm0  }
0xcb: {  	v15 =	vsel vm0, $0xF149F2CA, v15  }
0xcc: {  	[tilespmem:s15+$0xFFFFFFC0] =	vst v15  }
0xcd: {  	v15 =	vld [tilespmem:s17+$0xFFFFFFD0]  }
0xce: {  	v16 =	vld [tilespmem:s22+$0xFFFFFFD0]  }
0xcf: {  	v17 =	vld [tilespmem:s13+$0xFFFFFFD0]  }
0xd0: {  	v18 =	vld [tilespmem:s14+$0xFFFFFFD0];
	_ =	sdelay $0x3  }
0xd1: {  	v19 =	vld [tilespmem:s18+$0xFFFFFFD0];
	v15 =	vmax.f32 v15, v13  }
0xd2: {  	v16 =	vmin.f32 v16, v11;
	v17 =	vmax.f32 v17, v12;
	v18 =	vmin.f32 v18, v9  }
0xd3: {  	v15 =	vsub.f32 v16, v15;
	v16 =	vsub.f32 v18, v17;
	_ =	sdelay $0x1  }
0xd4: {  	v15 =	vmax.f32 v15, $0.0e+00;
	v16 =	vmax.f32 v16, $0.0e+00  }
0xd5: {  	v15 =	vmul.f32 v15, v16;
	v16 =	vadd.f32 v19, v14;
	_ =	sdelay $0x1  }
0xd6: {  	v16 =	vsub.f32 v16, v15;
	_ =	sdelay $0x1  }
0xd7: {  	v16 =	vadd.f32 $9.999999930e-09, v16;
	_ =	sdelay $0x1  }
0xd8: {  	(erf) = vrcp.f32 v16;
	_ =	sdelay $0x8  }
0xd9: {  	v16 =	vld [tilespmem:s15+$0xFFFFFFD0];
	v17 =	vpop (erf)  }
0xda: {  	s24 =	sadd.s32 $0x10, s23;
	v15 =	vmul.f32 v17, v15  }
0xdb: {  	v17 =	vor.u32 s24, v0  }
0xdc: {  	vm1 =	veq.s32 v17, v10;
	vm0 =	vgt.f32 v15, $5.000000000e-01  }
0xdd: {  	vm0 =	vmor vm1, vm0  }
0xde: {  	v15 =	vsel vm0, $0xF149F2CA, v16  }
0xdf: {  	[tilespmem:s15+$0xFFFFFFD0] =	vst v15  }
0xe0: {  	v15 =	vld [tilespmem:s14+$0xFFFFFFE0]  }
0xe1: {  	v16 =	vld [tilespmem:s13+$0xFFFFFFE0]  }
0xe2: {  	v17 =	vld [tilespmem:s17+$0xFFFFFFE0]  }
0xe3: {  	v18 =	vld [tilespmem:s22+$0xFFFFFFE0];
	_ =	sdelay $0x3  }
0xe4: {  	v19 =	vld [tilespmem:s18+$0xFFFFFFE0];
	v15 =	vmin.f32 v15, v9  }
0xe5: {  	v16 =	vmax.f32 v16, v12;
	v17 =	vmax.f32 v17, v13;
	v18 =	vmin.f32 v18, v11  }
0xe6: {  	v15 =	vsub.f32 v15, v16;
	v16 =	vsub.f32 v18, v17;
	_ =	sdelay $0x1  }
0xe7: {  	v15 =	vmax.f32 v15, $0.0e+00;
	v16 =	vmax.f32 v16, $0.0e+00  }
0xe8: {  	v15 =	vmul.f32 v16, v15;
	v16 =	vadd.f32 v19, v14;
	_ =	sdelay $0x1  }
0xe9: {  	v16 =	vsub.f32 v16, v15;
	_ =	sdelay $0x1  }
0xea: {  	v16 =	vadd.f32 $9.999999930e-09, v16;
	_ =	sdelay $0x1  }
0xeb: {  	(erf) = vrcp.f32 v16;
	_ =	sdelay $0x8  }
0xec: {  	v16 =	vld [tilespmem:s15+$0xFFFFFFE0];
	v17 =	vpop (erf)  }
0xed: {  	s25 =	sadd.s32 $0x20, s23;
	v15 =	vmul.f32 v17, v15  }
0xee: {  	v17 =	vor.u32 s25, v0  }
0xef: {  	vm1 =	veq.s32 v17, v10;
	vm0 =	vgt.f32 v15, $5.000000000e-01  }
0xf0: {  	vm0 =	vmor vm1, vm0  }
0xf1: {  	v15 =	vsel vm0, $0xF149F2CA, v16  }
0xf2: {  	[tilespmem:s15+$0xFFFFFFE0] =	vst v15  }
0xf3: {  	v15 =	vld [tilespmem:s13+$0xFFFFFFF0]  }
0xf4: {  	v16 =	vld [tilespmem:s22+$0xFFFFFFF0]  }
0xf5: {  	v17 =	vld [tilespmem:s14+$0xFFFFFFF0]  }
0xf6: {  	v18 =	vld [tilespmem:s17+$0xFFFFFFF0];
	_ =	sdelay $0x3  }
0xf7: {  	v19 =	vld [tilespmem:s18+$0xFFFFFFF0];
	v15 =	vmax.f32 v15, v12  }
0xf8: {  	v17 =	vmin.f32 v17, v9;
	v16 =	vmin.f32 v16, v11;
	v18 =	vmax.f32 v18, v13  }
0xf9: {  	v15 =	vsub.f32 v17, v15;
	v16 =	vsub.f32 v16, v18;
	_ =	sdelay $0x1  }
0xfa: {  	v15 =	vmax.f32 v15, $0.0e+00;
	v16 =	vmax.f32 v16, $0.0e+00  }
0xfb: {  	v15 =	vmul.f32 v16, v15;
	v16 =	vadd.f32 v19, v14;
	_ =	sdelay $0x1  }
0xfc: {  	v16 =	vsub.f32 v16, v15;
	_ =	sdelay $0x1  }
0xfd: {  	v16 =	vadd.f32 $9.999999930e-09, v16;
	_ =	sdelay $0x1  }
0xfe: {  	(erf) = vrcp.f32 v16;
	_ =	sdelay $0x8  }
0xff: {  	v16 =	vld [tilespmem:s15+$0xFFFFFFF0];
	v17 =	vpop (erf)  }
0x100: {  	s26 =	sadd.s32 $0x30, s23;
	v15 =	vmul.f32 v17, v15  }
0x101: {  	v17 =	vor.u32 s26, v0  }
0x102: {  	vm1 =	veq.s32 v17, v10;
	vm0 =	vgt.f32 v15, $5.000000000e-01  }
0x103: {  	vm0 =	vmor vm1, vm0  }
0x104: {  	v15 =	vsel vm0, $0xF149F2CA, v16  }
0x105: {  	[tilespmem:s15+$0xFFFFFFF0] =	vst v15  }
0x106: {  	v15 =	vld [tilespmem:s17+$0x0]  }
0x107: {  	v16 =	vld [tilespmem:s22+$0x0]  }
0x108: {  	v17 =	vld [tilespmem:s14+$0x0]  }
0x109: {  	v18 =	vld [tilespmem:s13+$0x0];
	_ =	sdelay $0x3  }
0x10a: {  	v19 =	vld [tilespmem:s18+$0x0];
	v16 =	vmin.f32 v16, v11  }
0x10b: {  	v15 =	vmax.f32 v15, v13;
	v17 =	vmin.f32 v17, v9;
	v18 =	vmax.f32 v18, v12  }
0x10c: {  	v15 =	vsub.f32 v16, v15;
	v16 =	vsub.f32 v17, v18;
	_ =	sdelay $0x1  }
0x10d: {  	v15 =	vmax.f32 v15, $0.0e+00;
	v16 =	vmax.f32 v16, $0.0e+00  }
0x10e: {  	v15 =	vmul.f32 v15, v16;
	v16 =	vadd.f32 v19, v14;
	_ =	sdelay $0x1  }
0x10f: {  	v16 =	vsub.f32 v16, v15;
	_ =	sdelay $0x1  }
0x110: {  	v16 =	vadd.f32 $9.999999930e-09, v16;
	_ =	sdelay $0x1  }
0x111: {  	(erf) = vrcp.f32 v16;
	_ =	sdelay $0x8  }
0x112: {  	v16 =	vld [tilespmem:s15+$0x0];
	v17 =	vpop (erf)  }
0x113: {  	s28 =	sadd.s32 $0x40, s23;
	v15 =	vmul.f32 v17, v15  }
0x114: {  	v17 =	vor.u32 s28, v0  }
0x115: {  	vm1 =	veq.s32 v17, v10;
	vm0 =	vgt.f32 v15, $5.000000000e-01  }
0x116: {  	vm0 =	vmor vm1, vm0  }
0x117: {  	v15 =	vsel vm0, $0xF149F2CA, v16  }
0x118: {  	[tilespmem:s15+$0x0] =	vst v15  }
0x119: {  	v15 =	vld [tilespmem:s13+$0x10]  }
0x11a: {  	v16 =	vld [tilespmem:s17+$0x10]  }
0x11b: {  	v17 =	vld [tilespmem:s14+$0x10]  }
0x11c: {  	v18 =	vld [tilespmem:s22+$0x10];
	_ =	sdelay $0x3  }
0x11d: {  	v19 =	vld [tilespmem:s18+$0x10];
	v15 =	vmax.f32 v15, v12  }
0x11e: {  	v17 =	vmin.f32 v17, v9;
	v16 =	vmax.f32 v16, v13;
	v18 =	vmin.f32 v18, v11  }
0x11f: {  	v15 =	vsub.f32 v17, v15;
	v16 =	vsub.f32 v18, v16;
	_ =	sdelay $0x1  }
0x120: {  	v15 =	vmax.f32 v15, $0.0e+00;
	v16 =	vmax.f32 v16, $0.0e+00  }
0x121: {  	v15 =	vmul.f32 v16, v15;
	v16 =	vadd.f32 v19, v14;
	_ =	sdelay $0x1  }
0x122: {  	v16 =	vsub.f32 v16, v15;
	_ =	sdelay $0x1  }
0x123: {  	v16 =	vadd.f32 $9.999999930e-09, v16;
	_ =	sdelay $0x1  }
0x124: {  	(erf) = vrcp.f32 v16;
	_ =	sdelay $0x8  }
0x125: {  	v16 =	vld [tilespmem:s15+$0x10];
	v17 =	vpop (erf)  }
0x126: {  	s29 =	sadd.s32 $0x50, s23;
	v15 =	vmul.f32 v17, v15  }
0x127: {  	v17 =	vor.u32 s29, v0  }
0x128: {  	vm1 =	veq.s32 v17, v10;
	vm0 =	vgt.f32 v15, $5.000000000e-01  }
0x129: {  	vm0 =	vmor vm1, vm0  }
0x12a: {  	v15 =	vsel vm0, $0xF149F2CA, v16  }
0x12b: {  	[tilespmem:s15+$0x10] =	vst v15  }
0x12c: {  	v15 =	vld [tilespmem:s13+$0x20]  }
0x12d: {  	v16 =	vld [tilespmem:s14+$0x20]  }
0x12e: {  	v17 =	vld [tilespmem:s22+$0x20]  }
0x12f: {  	v18 =	vld [tilespmem:s17+$0x20];
	_ =	sdelay $0x3  }
0x130: {  	v19 =	vld [tilespmem:s18+$0x20];
	v16 =	vmin.f32 v16, v9  }
0x131: {  	v15 =	vmax.f32 v15, v12;
	v17 =	vmin.f32 v17, v11;
	v18 =	vmax.f32 v18, v13  }
0x132: {  	v15 =	vsub.f32 v16, v15;
	v16 =	vsub.f32 v17, v18;
	_ =	sdelay $0x1  }
0x133: {  	v15 =	vmax.f32 v15, $0.0e+00;
	v16 =	vmax.f32 v16, $0.0e+00  }
0x134: {  	v15 =	vmul.f32 v16, v15;
	v16 =	vadd.f32 v19, v14;
	_ =	sdelay $0x1  }
0x135: {  	v16 =	vsub.f32 v16, v15;
	_ =	sdelay $0x1  }
0x136: {  	v16 =	vadd.f32 $9.999999930e-09, v16;
	_ =	sdelay $0x1  }
0x137: {  	(erf) = vrcp.f32 v16;
	_ =	sdelay $0x8  }
0x138: {  	v16 =	vld [tilespmem:s15+$0x20];
	v17 =	vpop (erf)  }
0x139: {  	s30 =	sadd.s32 $0x60, s23;
	v15 =	vmul.f32 v17, v15  }
0x13a: {  	v17 =	vor.u32 s30, v0  }
0x13b: {  	vm1 =	veq.s32 v17, v10;
	vm0 =	vgt.f32 v15, $5.000000000e-01  }
0x13c: {  	vm0 =	vmor vm1, vm0  }
0x13d: {  	v15 =	vsel vm0, $0xF149F2CA, v16  }
0x13e: {  	[tilespmem:s15+$0x20] =	vst v15  }
0x13f: {  	v15 =	vld [tilespmem:s17+$0x30]  }
0x140: {  	v16 =	vld [tilespmem:s14+$0x30]  }
0x141: {  	v17 =	vld [tilespmem:s13+$0x30]  }
0x142: {  	v18 =	vld [tilespmem:s22+$0x30];
	_ =	sdelay $0x2  }
0x143: {  	v19 =	vld [tilespmem:s18+$0x30]  }
0x144: {  	v16 =	vmin.f32 v16, v9  }
0x145: {  	v15 =	vmax.f32 v15, v13;
	v17 =	vmax.f32 v17, v12;
	v18 =	vmin.f32 v18, v11  }
0x146: {  	s31 =	sadd.s32 $0x70, s23;
	v16 =	vsub.f32 v16, v17;
	v18 =	vsub.f32 v18, v15  }
0x147: {  	s16 =	simm.s32 $0x1940;
	s19 =	simm.s32 $0x5C0;
	v15 =	vor.u32 s31, v0  }
0x148: {  	s20 =	simm.s32 $0x14C0;
	s17 =	simm.s32 $0x80;
	s18 =	simm.s32 $0xFC0;
	v17 =	vmax.f32 v16, $0.0e+00;
	v18 =	vmax.f32 v18, $0.0e+00;
	v16 =	vadd.f32 v19, v14  }
.LBB2_6:
0x149: {  	v17 =	vmul.f32 v18, v17;
	s15 =	sadd.s32 $0x80, s15;
	s14 =	sadd.s32 $0x80, s14;
	s13 =	sadd.s32 $0x80, s13  }
0x14a: {  	p1 =	sne.s32 s17, $0x480;
	s21 =	smov.u32 s17;
	s17 =	sadd.s32 $0x80, s17  }
0x14b: {  	v16 =	vsub.f32 v16, v17;
	_ =	sdelay $0x1  }
0x14c: {  	v16 =	vadd.f32 $9.999999930e-09, v16;
	_ =	sdelay $0x1  }
0x14d: {  	(erf) = vrcp.f32 v16;
	_ =	sdelay $0x7  }
0x14e: {  	v16 =	vld [tilespmem:s16+$0x30]  }
0x14f: {  	v18 =	vpop (erf)  }
0x150: {  	v17 =	vmul.f32 v18, v17  }
0x151: {  	vm0 =	veq.s32 v15, v10  }
0x152: {  	vm1 =	vgt.f32 v17, $5.000000000e-01  }
0x153: {  	vm0 =	vmor vm0, vm1  }
0x154: {  	v15 =	vsel vm0, $0xF149F2CA, v16  }
0x155: {  	[tilespmem:s16+$0x30] =	vst v15;
	s16 =	smov.u32 s15  }
0x156: {  	v15 =	vld [tilespmem:s19+$0xFFFFFFC0]  }
0x157: {  	v16 =	vld [tilespmem:s18+$0xFFFFFFC0]  }
0x158: {  	v17 =	vld [tilespmem:s13+$0xFFFFFFC0]  }
0x159: {  	v18 =	vld [tilespmem:s14+$0xFFFFFFC0];
	_ =	sdelay $0x2  }
0x15a: {  	v15 =	vmax.f32 v15, v13;
	v16 =	vmin.f32 v16, v11  }
0x15b: {  	v15 =	vsub.f32 v16, v15;
	v16 =	vld [tilespmem:s20+$0xFFFFFFC0]  }
0x15c: {  	v17 =	vmax.f32 v17, v12;
	v18 =	vmin.f32 v18, v9  }
0x15d: {  	v17 =	vsub.f32 v18, v17;
	_ =	sdelay $0x1  }
0x15e: {  	v15 =	vmax.f32 v15, $0.0e+00;
	v17 =	vmax.f32 v17, $0.0e+00  }
0x15f: {  	v15 =	vmul.f32 v15, v17;
	v16 =	vadd.f32 v16, v14;
	_ =	sdelay $0x1  }
0x160: {  	v16 =	vsub.f32 v16, v15;
	_ =	sdelay $0x1  }
0x161: {  	v16 =	vadd.f32 $9.999999930e-09, v16;
	_ =	sdelay $0x1  }
0x162: {  	(erf) = vrcp.f32 v16;
	_ =	sdelay $0x8  }
0x163: {  	v16 =	vld [tilespmem:s15+$0xFFFFFFC0];
	v17 =	vpop (erf)  }
0x164: {  	s21 =	sadd.s32 s21, s2;
	v15 =	vmul.f32 v17, v15  }
0x165: {  	s22 =	sadd.s32 $0x10, s21;
	s23 =	sadd.s32 $0x20, s21;
	s24 =	sadd.s32 $0x30, s21;
	v17 =	vor.u32 s21, v0  }
0x166: {  	s25 =	sadd.s32 $0x50, s21;
	s26 =	sadd.s32 $0x60, s21;
	v20 =	vor.u32 s22, v0;
	s22 =	sadd.s32 $0x40, s21;
	vm1 =	veq.s32 v17, v10;
	vm0 =	vgt.f32 v15, $5.000000000e-01  }
0x167: {  	v21 =	vor.u32 s23, v0;
	v19 =	vor.u32 s24, v0;
	s21 =	sadd.s32 $0x70, s21;
	vm0 =	vmor vm1, vm0  }
0x168: {  	v18 =	vor.u32 s22, v0;
	v17 =	vor.u32 s25, v0;
	v15 =	vsel vm0, $0xF149F2CA, v16  }
0x169: {  	v16 =	vor.u32 s26, v0;
	[tilespmem:s15+$0xFFFFFFC0] =	vst v15;
	v15 =	vor.u32 s21, v0  }
0x16a: {  	v22 =	vld [tilespmem:s19+$0xFFFFFFD0]  }
0x16b: {  	v23 =	vld [tilespmem:s18+$0xFFFFFFD0]  }
0x16c: {  	v24 =	vld [tilespmem:s13+$0xFFFFFFD0]  }
0x16d: {  	v25 =	vld [tilespmem:s14+$0xFFFFFFD0];
	_ =	sdelay $0x1  }
0x16e: {  	v22 =	vmax.f32 v22, v13  }
0x16f: {  	v23 =	vmin.f32 v23, v11  }
0x170: {  	v24 =	vmax.f32 v24, v12;
	v22 =	vsub.f32 v23, v22;
	v23 =	vld [tilespmem:s20+$0xFFFFFFD0]  }
0x171: {  	v25 =	vmin.f32 v25, v9  }
0x172: {  	v24 =	vsub.f32 v25, v24;
	v22 =	vmax.f32 v22, $0.0e+00;
	_ =	sdelay $0x1  }
0x173: {  	v24 =	vmax.f32 v24, $0.0e+00  }
0x174: {  	v22 =	vmul.f32 v22, v24;
	v23 =	vadd.f32 v23, v14;
	_ =	sdelay $0x1  }
0x175: {  	v23 =	vsub.f32 v23, v22;
	_ =	sdelay $0x1  }
0x176: {  	v23 =	vadd.f32 $9.999999930e-09, v23;
	_ =	sdelay $0x1  }
0x177: {  	(erf) = vrcp.f32 v23;
	_ =	sdelay $0x8  }
0x178: {  	v23 =	vld [tilespmem:s15+$0xFFFFFFD0];
	v24 =	vpop (erf)  }
0x179: {  	v22 =	vmul.f32 v24, v22;
	_ =	sdelay $0x1  }
0x17a: {  	vm1 =	veq.s32 v20, v10;
	vm0 =	vgt.f32 v22, $5.000000000e-01  }
0x17b: {  	vm0 =	vmor vm1, vm0  }
0x17c: {  	v20 =	vsel vm0, $0xF149F2CA, v23  }
0x17d: {  	[tilespmem:s15+$0xFFFFFFD0] =	vst v20  }
0x17e: {  	v20 =	vld [tilespmem:s14+$0xFFFFFFE0]  }
0x17f: {  	v22 =	vld [tilespmem:s13+$0xFFFFFFE0]  }
0x180: {  	v23 =	vld [tilespmem:s19+$0xFFFFFFE0]  }
0x181: {  	v24 =	vld [tilespmem:s18+$0xFFFFFFE0];
	_ =	sdelay $0x2  }
0x182: {  	v20 =	vmin.f32 v20, v9;
	v22 =	vmax.f32 v22, v12  }
0x183: {  	v20 =	vsub.f32 v20, v22;
	v22 =	vmax.f32 v23, v13;
	v23 =	vld [tilespmem:s20+$0xFFFFFFE0]  }
0x184: {  	v24 =	vmin.f32 v24, v11  }
0x185: {  	v22 =	vsub.f32 v24, v22  }
0x186: {  	v20 =	vmax.f32 v20, $0.0e+00  }
0x187: {  	v22 =	vmax.f32 v22, $0.0e+00  }
0x188: {  	v20 =	vmul.f32 v22, v20;
	v22 =	vadd.f32 v23, v14;
	_ =	sdelay $0x1  }
0x189: {  	v22 =	vsub.f32 v22, v20;
	_ =	sdelay $0x1  }
0x18a: {  	v22 =	vadd.f32 $9.999999930e-09, v22;
	_ =	sdelay $0x1  }
0x18b: {  	(erf) = vrcp.f32 v22;
	_ =	sdelay $0x8  }
0x18c: {  	v22 =	vld [tilespmem:s15+$0xFFFFFFE0];
	v23 =	vpop (erf)  }
0x18d: {  	v20 =	vmul.f32 v23, v20;
	_ =	sdelay $0x1  }
0x18e: {  	vm1 =	veq.s32 v21, v10;
	vm0 =	vgt.f32 v20, $5.000000000e-01  }
0x18f: {  	vm0 =	vmor vm1, vm0  }
0x190: {  	v20 =	vsel vm0, $0xF149F2CA, v22  }
0x191: {  	[tilespmem:s15+$0xFFFFFFE0] =	vst v20  }
0x192: {  	v20 =	vld [tilespmem:s13+$0xFFFFFFF0]  }
0x193: {  	v21 =	vld [tilespmem:s18+$0xFFFFFFF0]  }
0x194: {  	v22 =	vld [tilespmem:s14+$0xFFFFFFF0]  }
0x195: {  	v23 =	vld [tilespmem:s19+$0xFFFFFFF0];
	_ =	sdelay $0x2  }
0x196: {  	v20 =	vmax.f32 v20, v12  }
0x197: {  	v21 =	vmin.f32 v21, v11;
	v22 =	vmin.f32 v22, v9;
	v24 =	vld [tilespmem:s20+$0xFFFFFFF0]  }
0x198: {  	v20 =	vsub.f32 v22, v20;
	v22 =	vmax.f32 v23, v13  }
0x199: {  	v21 =	vsub.f32 v21, v22;
	_ =	sdelay $0x1  }
0x19a: {  	v20 =	vmax.f32 v20, $0.0e+00;
	v21 =	vmax.f32 v21, $0.0e+00  }
0x19b: {  	v20 =	vmul.f32 v21, v20;
	v21 =	vadd.f32 v24, v14;
	_ =	sdelay $0x1  }
0x19c: {  	v21 =	vsub.f32 v21, v20;
	_ =	sdelay $0x1  }
0x19d: {  	v21 =	vadd.f32 $9.999999930e-09, v21;
	_ =	sdelay $0x1  }
0x19e: {  	(erf) = vrcp.f32 v21;
	_ =	sdelay $0x8  }
0x19f: {  	v21 =	vld [tilespmem:s15+$0xFFFFFFF0];
	v22 =	vpop (erf)  }
0x1a0: {  	v20 =	vmul.f32 v22, v20;
	_ =	sdelay $0x1  }
0x1a1: {  	vm1 =	veq.s32 v19, v10;
	vm0 =	vgt.f32 v20, $5.000000000e-01  }
0x1a2: {  	vm0 =	vmor vm1, vm0  }
0x1a3: {  	v19 =	vsel vm0, $0xF149F2CA, v21  }
0x1a4: {  	[tilespmem:s15+$0xFFFFFFF0] =	vst v19  }
0x1a5: {  	v19 =	vld [tilespmem:s19+$0x0]  }
0x1a6: {  	v20 =	vld [tilespmem:s18+$0x0]  }
0x1a7: {  	v21 =	vld [tilespmem:s14+$0x0]  }
0x1a8: {  	v22 =	vld [tilespmem:s13+$0x0];
	_ =	sdelay $0x2  }
0x1a9: {  	v19 =	vmax.f32 v19, v13;
	v20 =	vmin.f32 v20, v11  }
0x1aa: {  	v21 =	vmin.f32 v21, v9;
	v19 =	vsub.f32 v20, v19;
	v20 =	vld [tilespmem:s20+$0x0]  }
0x1ab: {  	v22 =	vmax.f32 v22, v12  }
0x1ac: {  	v21 =	vsub.f32 v21, v22;
	v19 =	vmax.f32 v19, $0.0e+00;
	_ =	sdelay $0x1  }
0x1ad: {  	v21 =	vmax.f32 v21, $0.0e+00  }
0x1ae: {  	v19 =	vmul.f32 v19, v21;
	v20 =	vadd.f32 v20, v14;
	_ =	sdelay $0x1  }
0x1af: {  	v20 =	vsub.f32 v20, v19;
	_ =	sdelay $0x1  }
0x1b0: {  	v20 =	vadd.f32 $9.999999930e-09, v20;
	_ =	sdelay $0x1  }
0x1b1: {  	(erf) = vrcp.f32 v20;
	_ =	sdelay $0x8  }
0x1b2: {  	v20 =	vld [tilespmem:s15+$0x0];
	v21 =	vpop (erf)  }
0x1b3: {  	v19 =	vmul.f32 v21, v19;
	_ =	sdelay $0x1  }
0x1b4: {  	vm1 =	veq.s32 v18, v10;
	vm0 =	vgt.f32 v19, $5.000000000e-01  }
0x1b5: {  	vm0 =	vmor vm1, vm0  }
0x1b6: {  	v18 =	vsel vm0, $0xF149F2CA, v20  }
0x1b7: {  	[tilespmem:s15+$0x0] =	vst v18  }
0x1b8: {  	v18 =	vld [tilespmem:s13+$0x10]  }
0x1b9: {  	v19 =	vld [tilespmem:s19+$0x10]  }
0x1ba: {  	v20 =	vld [tilespmem:s14+$0x10]  }
0x1bb: {  	v21 =	vld [tilespmem:s18+$0x10]  }
0x1bc: {  	v22 =	vld [tilespmem:s20+$0x10];
	_ =	sdelay $0x1  }
0x1bd: {  	v18 =	vmax.f32 v18, v12  }
0x1be: {  	v19 =	vmax.f32 v19, v13;
	v20 =	vmin.f32 v20, v9  }
0x1bf: {  	v18 =	vsub.f32 v20, v18;
	v20 =	vmin.f32 v21, v11  }
0x1c0: {  	v19 =	vsub.f32 v20, v19;
	_ =	sdelay $0x1  }
0x1c1: {  	v18 =	vmax.f32 v18, $0.0e+00;
	v19 =	vmax.f32 v19, $0.0e+00  }
0x1c2: {  	v18 =	vmul.f32 v19, v18;
	v19 =	vadd.f32 v22, v14;
	_ =	sdelay $0x1  }
0x1c3: {  	v19 =	vsub.f32 v19, v18;
	_ =	sdelay $0x1  }
0x1c4: {  	v19 =	vadd.f32 $9.999999930e-09, v19;
	_ =	sdelay $0x1  }
0x1c5: {  	(erf) = vrcp.f32 v19;
	_ =	sdelay $0x8  }
0x1c6: {  	v19 =	vld [tilespmem:s15+$0x10];
	v20 =	vpop (erf)  }
0x1c7: {  	v18 =	vmul.f32 v20, v18;
	_ =	sdelay $0x1  }
0x1c8: {  	vm1 =	veq.s32 v17, v10;
	vm0 =	vgt.f32 v18, $5.000000000e-01  }
0x1c9: {  	vm0 =	vmor vm1, vm0  }
0x1ca: {  	v17 =	vsel vm0, $0xF149F2CA, v19  }
0x1cb: {  	[tilespmem:s15+$0x10] =	vst v17  }
0x1cc: {  	v17 =	vld [tilespmem:s13+$0x20]  }
0x1cd: {  	v18 =	vld [tilespmem:s14+$0x20]  }
0x1ce: {  	v19 =	vld [tilespmem:s18+$0x20]  }
0x1cf: {  	v20 =	vld [tilespmem:s19+$0x20]  }
0x1d0: {  	v21 =	vld [tilespmem:s20+$0x20];
	_ =	sdelay $0x1  }
0x1d1: {  	v17 =	vmax.f32 v17, v12;
	v18 =	vmin.f32 v18, v9  }
0x1d2: {  	v17 =	vsub.f32 v18, v17;
	v18 =	vmin.f32 v19, v11  }
0x1d3: {  	v19 =	vmax.f32 v20, v13  }
0x1d4: {  	v18 =	vsub.f32 v18, v19  }
0x1d5: {  	v17 =	vmax.f32 v17, $0.0e+00  }
0x1d6: {  	v18 =	vmax.f32 v18, $0.0e+00  }
0x1d7: {  	v17 =	vmul.f32 v18, v17;
	v18 =	vadd.f32 v21, v14;
	_ =	sdelay $0x1  }
0x1d8: {  	v18 =	vsub.f32 v18, v17;
	_ =	sdelay $0x1  }
0x1d9: {  	v18 =	vadd.f32 $9.999999930e-09, v18;
	_ =	sdelay $0x1  }
0x1da: {  	(erf) = vrcp.f32 v18;
	_ =	sdelay $0x8  }
0x1db: {  	v18 =	vld [tilespmem:s15+$0x20];
	v19 =	vpop (erf)  }
0x1dc: {  	v17 =	vmul.f32 v19, v17;
	_ =	sdelay $0x1  }
0x1dd: {  	vm1 =	veq.s32 v16, v10;
	vm0 =	vgt.f32 v17, $5.000000000e-01  }
0x1de: {  	vm0 =	vmor vm1, vm0  }
0x1df: {  	v16 =	vsel vm0, $0xF149F2CA, v18  }
0x1e0: {  	[tilespmem:s15+$0x20] =	vst v16  }
0x1e1: {  	v16 =	vld [tilespmem:s19+$0x30]  }
0x1e2: {  	v17 =	vld [tilespmem:s14+$0x30]  }
0x1e3: {  	v18 =	vld [tilespmem:s13+$0x30]  }
0x1e4: {  	v19 =	vld [tilespmem:s18+$0x30]  }
0x1e5: {  	v20 =	vld [tilespmem:s20+$0x30];
	_ =	sdelay $0x1  }
0x1e6: {  	v16 =	vmax.f32 v16, v13;
	v17 =	vmin.f32 v17, v9  }
.Ltmp2:
0x1e7: {  	v18 =	vmax.f32 v18, v12;
	(pc) =	sbr.rel @p1 .LBB2_6-.Ltmp2, $4  }
0x1e8: {  	v17 =	vsub.f32 v17, v18;
	v18 =	vmin.f32 v19, v11  }
0x1e9: {  	v16 =	vsub.f32 v18, v16  }
0x1ea: {  	v17 =	vmax.f32 v17, $0.0e+00  }
0x1eb: {  	s19 =	sadd.s32 $0x80, s19;
	s18 =	sadd.s32 $0x80, s18;
	s20 =	sadd.s32 $0x80, s20;
	v18 =	vmax.f32 v16, $0.0e+00;
	v16 =	vadd.f32 v20, v14  }
0x1ec: {  	v9 =	vmul.f32 v18, v17;
	(v2sf) =	vpush @!p0 v4, $0xF;
	_ =	sdelay $0x1  }
0x1ed: {  	v60 =	vsub.f32 v16, v9;
	_ =	sdelay $0x1  }
0x1ee: {  	v4 =	vadd.f32 $9.999999930e-09, v60;
	_ =	sdelay $0x1  }
0x1ef: {  	(erf) = vrcp.f32 v4;
	_ =	sdelay $0x2  }
0x1f0: {  	v4 =	vbroadcast @!p0 v6, $0xF;
	v6 =	vbroadcast @!p0 v8, $0xF  }
0x1f1: {  	vm0 =	vmmov @!p0 $0x1;
	vm1 =	vcmask @!p0 $0x704  }
0x1f2: {  	v7 =	vbroadcast @!p0 v7, $0xF;
	v4 =	vnsel @!p0 vm0, $0x0, v4;
	v6 =	vnsel @!p0 vm1, $0x0, v6  }
0x1f3: {  	vm0 =	vcmask @!p0 $0xB08;
	v4 =	vadd.f32 @!p0 v6, v4  }
0x1f4: {  	v5 =	vbroadcast @!p0 v5, $0xF;
	v6 =	vnsel @!p0 vm0, $0x0, v7  }
0x1f5: {  	vm0 =	vcmask @!p0 $0xF0C;
	v4 =	vadd.f32 @!p0 v4, v6  }
0x1f6: {  	v61 =	vld [tilespmem:s16+$0x30];
	v5 =	vnsel @!p0 vm0, $0x0, v5;
	v62 =	vpop (erf);
	s13 =	spop @!p0 (v2sf)  }
0x1f7: {  	vm0 =	vcmask @!p0 $0xF14;
	v4 =	vadd.f32 @!p0 v4, v5;
	v7 =	vmul.f32 v62, v9;
	p1 =	sgt.f32 @!p0 s13, $-5.000000080e+29  }
0x1f8: {  	v3 =	vsel @!p0 vm0, $0x0, v3  }
0x1f9: {  	vm0 =	veq.s32 v15, v10;
	v3 =	vadd.f32 @!p0 v4, v3;
	s13 =	simm.f32 @!p0 $1.000000000e+00;
	vm1 =	vgt.f32 v7, $5.000000000e-01;
	p1 =	por !p1, p0  }
0x1fa: {  	vm0 =	vmor vm0, vm1;
	s13 =	simm.s32 @p1 $0x0  }
0x1fb: {  	v63 =	vsel vm0, $0xF149F2CA, v61;
	v3 =	vmul.f32 @!p0 s13, v3  }
0x1fc: {  	s14 =	simm.s32 @!p0 $0x0;
	s13 =	sshll.u32 @!p0 s5, $0x4;
	s5 =	sadd.s32 $0x1, s5;
	[tilespmem:s16+$0x30] =	vst v63  }
0x1fd: {  	s15 =	simm.s32 @!p0 $0x1F80;
	s13 =	sadd.s32 @!p0 s3, s13;
	p1 =	sne.s32 s5, $0x12C;
	[tilespmem:$0x1F80] =	vst @!p0 v3  }
0x1fe: {  	[hbm4b:s13+s14] =	stream.linear.scatter @!p0 [tilespmem:s15], [sflag:$0x1], $0x80, $0x38;
	[tilespmem:$0x2010] =	vst v63  }
.Ltmp3:
0x1ff: {  	_ = 	snop;
	(pc) =	sbr.rel @p1 .LBB2_3-.Ltmp3, $4  }
0x200: {  	s13 =	simm.s32 @!p0 $0x1  }
0x201: {  	_ =	swait.ge @!p0 [sflag:s13], $0x80  }
0x202: {  	[sflag:s13] =	ssyncset.done @!p0 $0x0  }
0x203: {  	[sflag:s13] =	ssyncadd.s32 @!p0 $0xFFFFFF80  }
0x204: {  	_ =	sfence.sel $0x180000  }
0x205: {  	[bflag:$0x0] =	sbarrier.arrive $0xFFFF  }
0x206: {  	_ =	strace $0x90000047  }
0x207: {  	s0 =	sadd.s32 @!p0 $0x100000, s0;
	[bflag:$0x2] =	sbarrier.arrive $0xFFFF  }
0x208: {  	[sflag:s0] =	ssyncadd.tile.s32 @!p0 $0x1;
	_ =	shalt  }
.Lfunc_end2:
_tile_overlayer_lowered:
.L_overlay_start_2:
0x209: {  	(tag) =	ssettag $0x2  }
0x20a: {  	s0 =	rddreg [dreg:$0x0];
	s2 =	stileid.u32  }
0x20b: {  	s1 =	rddreg [dreg:$0x1];
	p0 =	sne.s32 s2, $0x0  }
0x20c: {  	s3 =	rddreg [dreg:$0x2];
	[bflag:$0x3] =	sbarrier.arrive $0xFFFF;
	s2 =	simm.s32 @!p0 $0x1C01  }
0x20d: {  	[timem:s3], [sflag:s2] =	dma.local @!p0 [hbm:s0], s1  }
0x20e: {  	s0 =	simm.s32 @!p0 $0x1  }
0x20f: {  	_ =	swait.ge @!p0 [sflag:s0], s1  }
0x210: {  	s1 =	ssub.s32 @!p0 $0x0, s1;
	[sflag:s0] =	ssyncset.done @!p0 $0x0  }
0x211: {  	[sflag:s0] =	ssyncadd.s32 @!p0 s1  }
0x212: {  	[bflag:$0x3] =	sbarrier.arrive $0xFFFF  }
0x213: {  	_ =	shalt  }

</sc_bundles>
